<compile_context>
chip_gen: v7x
topology: tpu7x:2x2x1
jax: 0.10.2.dev20260603
libtpu: 0.0.44.dev20260713+nightly
codegen_flags: <defaults>
</compile_context>

<pallas_src>
import functools

import jax
import jax.numpy as jnp
from jax import lax
from jax.experimental import pallas as pl
from jax.experimental.pallas import tpu as pltpu
from jax.experimental.pallas import tpu_sc as plsc

_NUM_CORES = 2
_NUM_SUBCORES = 16
_NUM_WORKERS = _NUM_CORES * _NUM_SUBCORES

_CHUNK = 64
_NB = 4
_NSET = 2


def _add_body(a_ref, b_ref, o_ref):
    o_ref[...] = a_ref[...] + b_ref[...]


def _sum_tables(W_emb, W_pe):
    V, D = W_emb.shape
    rb = 4000
    assert V % rb == 0
    return pl.pallas_call(
        _add_body,
        grid=(V // rb,),
        in_specs=[
            pl.BlockSpec((rb, D), lambda i: (i, 0)),
            pl.BlockSpec((rb, D), lambda i: (i, 0)),
        ],
        out_specs=pl.BlockSpec((rb, D), lambda i: (i, 0)),
        out_shape=jax.ShapeDtypeStruct((V, D), jnp.float32),
    )(W_emb, W_pe)


def _make_gather(N, D):
    per_w = N // _NUM_WORKERS
    n_chunks = per_w // _CHUNK
    n_super = n_chunks // _NB
    assert per_w * _NUM_WORKERS == N
    assert n_chunks * _CHUNK == per_w
    assert n_super * _NB == n_chunks and n_super % _NSET == 0

    mesh = plsc.VectorSubcoreMesh(core_axis_name="c", subcore_axis_name="s")

    nslot = _NSET * _NB
    rows_t = [pltpu.VMEM((_CHUNK, D), jnp.float32) for _ in range(nslot)]
    sems_t = [pltpu.SemaphoreType.DMA for _ in range(2 * nslot)]

    @functools.partial(
        pl.kernel,
        out_type=jax.ShapeDtypeStruct((N, D), jnp.float32),
        mesh=mesh,
        scratch_types=[pltpu.VMEM((n_chunks, _CHUNK), jnp.int32)]
        + rows_t
        + sems_t,
    )
    def gather(table_hbm, idx_hbm, out_hbm, idx_v, *bufs):
        rows = [bufs[p * _NB : (p + 1) * _NB] for p in range(_NSET)]
        gsem = [
            bufs[nslot + p * _NB : nslot + (p + 1) * _NB]
            for p in range(_NSET)
        ]
        ssem = [
            bufs[2 * nslot + p * _NB : 2 * nslot + (p + 1) * _NB]
            for p in range(_NSET)
        ]

        wid = lax.axis_index("s") * _NUM_CORES + lax.axis_index("c")
        base = wid * per_w

        def wait_gather(p, b, c):
            pltpu.make_async_copy(
                table_hbm.at[idx_v.at[c]], rows[p][b], gsem[p][b]
            ).wait()

        def start_store(p, b, c):
            pltpu.async_copy(
                rows[p][b],
                out_hbm.at[pl.ds(base + c * _CHUNK, _CHUNK)],
                ssem[p][b],
            )

        def wait_store(p, b):
            pltpu.make_async_copy(
                rows[p][b], out_hbm.at[pl.ds(base, _CHUNK)], ssem[p][b]
            ).wait()

        def start_gather(p, b, c):
            pltpu.async_copy(table_hbm.at[idx_v.at[c]], rows[p][b], gsem[p][b])

        pltpu.sync_copy(idx_hbm.at[pl.ds(wid * n_chunks, n_chunks)], idx_v)

        for b in range(_NB):
            start_gather(0, b, b)

        def superstep(t, p):
            c0 = t * _NB
            q = 1 - p
            for b in range(_NB):
                wait_gather(p, b, c0 + b)
                start_store(p, b, c0 + b)

                @pl.when(t >= 1)
                def _():
                    wait_store(q, b)
                start_gather(q, b, c0 + _NB + b)

        @pl.loop(0, n_super, step=_NSET)
        def _(t0):
            superstep(t0, 0)

            @pl.when(t0 + 2 < n_super)
            def _():
                superstep(t0 + 1, 1)

            @pl.when(t0 + 2 >= n_super)
            def _():
                c0 = (t0 + 1) * _NB
                for b in range(_NB):
                    wait_gather(1, b, c0 + b)
                    start_store(1, b, c0 + b)

        for p in range(_NSET):
            for b in range(_NB):
                wait_store(p, b)

    return gather


def kernel(x, W_emb, W_pe):
    B, L = x.shape
    V, D = W_emb.shape
    N = B * L
    W_sum = _sum_tables(W_emb, W_pe)
    idx2d = x.reshape(N // _CHUNK, _CHUNK).astype(jnp.int32)
    out = _make_gather(N, D)(W_sum, idx2d)
    return out.reshape(B, L, D)

# --- scband reference (transcript-rebuilt; emitter-appended) ---
"""Pipeline reference for scband-embedding-17239998726453 (READ-ONLY COPY).

The authoritative reference and input builder live on the scoring server;
editing this copy changes nothing except your own understanding.
"""

import jax, jax.numpy as jnp
import numpy as np

VOCAB = 100000
DIM = 128
B = 4096
L = 200

def setup_inputs(seed: int = 0) -> dict:
    key = jax.random.key(seed)
    k1, k2, k3 = jax.random.split(key, 3)
    x = jax.random.randint(k1, (B, L), 0, VOCAB, dtype=jnp.int64) if jax.config.jax_enable_x64 else jax.random.randint(k1, (B, L), 0, VOCAB, dtype=jnp.int32)
    W_emb = jax.random.normal(k2, (VOCAB, DIM), dtype=jnp.float32)
    W_pe = jax.random.normal(k3, (VOCAB, DIM), dtype=jnp.float32)
    return {"x": x, "W_emb": W_emb, "W_pe": W_pe}

def reference(x, W_emb, W_pe):
    word_emb = jnp.take(W_emb, x, axis=0)
    word_pe = jnp.take(W_pe, x, axis=0)
    return word_emb + word_pe

if __name__ == "__main__":
    import jax
    _d = setup_inputs()
    print(jax.jit(kernel)(*tuple(_d.values())))

</pallas_src>

<mosaic_0001>
#map = affine_map<(d0, d1) -> (0, 0)>
module attributes {stable_mosaic.version = 14 : i64} {
  func.func @gather(%arg0: i32, %arg1: i32, %arg2: memref<100000x128xf32, #tpu.memory_space<hbm>>, %arg3: memref<12800x64xi32, #tpu.memory_space<hbm>>, %arg4: memref<819200x128xf32, #tpu.memory_space<hbm>>, %arg5: memref<400x64xi32, #tpu.memory_space<vmem>>, %arg6: memref<64x128xf32, #tpu.memory_space<vmem>>, %arg7: memref<64x128xf32, #tpu.memory_space<vmem>>, %arg8: memref<64x128xf32, #tpu.memory_space<vmem>>, %arg9: memref<64x128xf32, #tpu.memory_space<vmem>>, %arg10: memref<64x128xf32, #tpu.memory_space<vmem>>, %arg11: memref<64x128xf32, #tpu.memory_space<vmem>>, %arg12: memref<64x128xf32, #tpu.memory_space<vmem>>, %arg13: memref<64x128xf32, #tpu.memory_space<vmem>>, %arg14: memref<!tpu.dma_semaphore, #tpu.memory_space<semaphore_mem>>, %arg15: memref<!tpu.dma_semaphore, #tpu.memory_space<semaphore_mem>>, %arg16: memref<!tpu.dma_semaphore, #tpu.memory_space<semaphore_mem>>, %arg17: memref<!tpu.dma_semaphore, #tpu.memory_space<semaphore_mem>>, %arg18: memref<!tpu.dma_semaphore, #tpu.memory_space<semaphore_mem>>, %arg19: memref<!tpu.dma_semaphore, #tpu.memory_space<semaphore_mem>>, %arg20: memref<!tpu.dma_semaphore, #tpu.memory_space<semaphore_mem>>, %arg21: memref<!tpu.dma_semaphore, #tpu.memory_space<semaphore_mem>>, %arg22: memref<!tpu.dma_semaphore, #tpu.memory_space<semaphore_mem>>, %arg23: memref<!tpu.dma_semaphore, #tpu.memory_space<semaphore_mem>>, %arg24: memref<!tpu.dma_semaphore, #tpu.memory_space<semaphore_mem>>, %arg25: memref<!tpu.dma_semaphore, #tpu.memory_space<semaphore_mem>>, %arg26: memref<!tpu.dma_semaphore, #tpu.memory_space<semaphore_mem>>, %arg27: memref<!tpu.dma_semaphore, #tpu.memory_space<semaphore_mem>>, %arg28: memref<!tpu.dma_semaphore, #tpu.memory_space<semaphore_mem>>, %arg29: memref<!tpu.dma_semaphore, #tpu.memory_space<semaphore_mem>>) attributes {dimension_semantics = [#tpu.dimension_semantics<core_parallel>, #tpu.dimension_semantics<subcore_parallel>], iteration_bounds = array<i64: 2, 16>, scalar_prefetch = 0 : i64, scratch_operands = 25 : i64, tpu.core_type = #tpu.core_type<sc_vector_subcore>, window_params = [{transform_indices = #map}, {transform_indices = #map}, {transform_indices = #map}]} {
    %mul3A = arith.constant 2 : i32
    %mul3A_0 = arith.muli %arg1, %mul3A : i32
    %add3A = arith.addi %mul3A_0, %arg0 : i32
    %mul3A_1 = arith.constant 25600 : i32
    %mul3A_2 = arith.muli %add3A, %mul3A_1 : i32
    %mul3A_3 = arith.constant 400 : i32
    %mul3A_4 = arith.muli %add3A, %mul3A_3 : i32
    "tpu.region"() ({
      %run_scoped3A = tpu.sem_alloc : memref<!tpu.dma_semaphore, #tpu.memory_space<semaphore_mem>>
      %dma_start3A_67 = arith.constant 0 : i32
      %dma_start3A_68 = tpu.memref_slice %arg3[%mul3A_4, %dma_start3A_67] : memref<12800x64xi32, #tpu.memory_space<hbm>> -> memref<400x64xi32, #tpu.memory_space<hbm>>
      %dma_start3A_69 = arith.constant 0 : i32
      %dma_start3A_70 = tpu.memref_slice %arg3[%mul3A_4, %dma_start3A_69] : memref<12800x64xi32, #tpu.memory_space<hbm>> -> memref<400x64xi32, #tpu.memory_space<hbm>>
      tpu.enqueue_dma source(%dma_start3A_70 : memref<400x64xi32, #tpu.memory_space<hbm>>) target(%arg5 : memref<400x64xi32, #tpu.memory_space<vmem>>) target_semaphore(%run_scoped3A : memref<!tpu.dma_semaphore, #tpu.memory_space<semaphore_mem>>)
      %dma_wait3A_71 = arith.constant 0 : i32
      %dma_wait3A_72 = tpu.memref_slice %arg3[%mul3A_4, %dma_wait3A_71] : memref<12800x64xi32, #tpu.memory_space<hbm>> -> memref<400x64xi32, #tpu.memory_space<hbm>>
      %dma_wait3A_73 = arith.constant 0 : i32
      %dma_wait3A_74 = tpu.memref_slice %arg3[%mul3A_4, %dma_wait3A_73] : memref<12800x64xi32, #tpu.memory_space<hbm>> -> memref<400x64xi32, #tpu.memory_space<hbm>>
      tpu.wait_dma2 semaphore(%run_scoped3A : memref<!tpu.dma_semaphore, #tpu.memory_space<semaphore_mem>>) src(%dma_wait3A_74 : memref<400x64xi32, #tpu.memory_space<hbm>>) dst(%arg5 : memref<400x64xi32, #tpu.memory_space<vmem>>)
      tpu.yield
    }) : () -> ()
    %dma_start3A = arith.constant 0 : i32
    %dma_start3A_5 = arith.constant 0 : i32
    %dma_start3A_6 = tpu.memref_slice %arg5[%dma_start3A, %dma_start3A_5] : memref<400x64xi32, #tpu.memory_space<vmem>> -> memref<1x64xi32, #tpu.memory_space<vmem>>
    %dma_start3A_7 = tpu.memref_squeeze %dma_start3A_6 : memref<1x64xi32, #tpu.memory_space<vmem>> -> memref<64xi32, #tpu.memory_space<vmem>>
    %dma_start3A_8 = arith.constant 0 : i32
    %dma_start3A_9 = arith.constant 0 : i32
    %dma_start3A_10 = tpu.memref_slice %arg2[%dma_start3A_8, %dma_start3A_9] : memref<100000x128xf32, #tpu.memory_space<hbm>> -> memref<100000x128xf32, #tpu.memory_space<hbm>>
    tpu.enqueue_indirect_dma source(%dma_start3A_10 : memref<100000x128xf32, #tpu.memory_space<hbm>>) target(%arg6 : memref<64x128xf32, #tpu.memory_space<vmem>>) offsets(%dma_start3A_7 : memref<64xi32, #tpu.memory_space<vmem>>) semaphore(%arg14 : memref<!tpu.dma_semaphore, #tpu.memory_space<semaphore_mem>>)
    %dma_start3A_11 = arith.constant 1 : i32
    %dma_start3A_12 = arith.constant 0 : i32
    %dma_start3A_13 = tpu.memref_slice %arg5[%dma_start3A_11, %dma_start3A_12] : memref<400x64xi32, #tpu.memory_space<vmem>> -> memref<1x64xi32, #tpu.memory_space<vmem>>
    %dma_start3A_14 = tpu.memref_squeeze %dma_start3A_13 : memref<1x64xi32, #tpu.memory_space<vmem>> -> memref<64xi32, #tpu.memory_space<vmem>>
    %dma_start3A_15 = arith.constant 0 : i32
    %dma_start3A_16 = arith.constant 0 : i32
    %dma_start3A_17 = tpu.memref_slice %arg2[%dma_start3A_15, %dma_start3A_16] : memref<100000x128xf32, #tpu.memory_space<hbm>> -> memref<100000x128xf32, #tpu.memory_space<hbm>>
    tpu.enqueue_indirect_dma source(%dma_start3A_17 : memref<100000x128xf32, #tpu.memory_space<hbm>>) target(%arg7 : memref<64x128xf32, #tpu.memory_space<vmem>>) offsets(%dma_start3A_14 : memref<64xi32, #tpu.memory_space<vmem>>) semaphore(%arg15 : memref<!tpu.dma_semaphore, #tpu.memory_space<semaphore_mem>>)
    %dma_start3A_18 = arith.constant 2 : i32
    %dma_start3A_19 = arith.constant 0 : i32
    %dma_start3A_20 = tpu.memref_slice %arg5[%dma_start3A_18, %dma_start3A_19] : memref<400x64xi32, #tpu.memory_space<vmem>> -> memref<1x64xi32, #tpu.memory_space<vmem>>
    %dma_start3A_21 = tpu.memref_squeeze %dma_start3A_20 : memref<1x64xi32, #tpu.memory_space<vmem>> -> memref<64xi32, #tpu.memory_space<vmem>>
    %dma_start3A_22 = arith.constant 0 : i32
    %dma_start3A_23 = arith.constant 0 : i32
    %dma_start3A_24 = tpu.memref_slice %arg2[%dma_start3A_22, %dma_start3A_23] : memref<100000x128xf32, #tpu.memory_space<hbm>> -> memref<100000x128xf32, #tpu.memory_space<hbm>>
    tpu.enqueue_indirect_dma source(%dma_start3A_24 : memref<100000x128xf32, #tpu.memory_space<hbm>>) target(%arg8 : memref<64x128xf32, #tpu.memory_space<vmem>>) offsets(%dma_start3A_21 : memref<64xi32, #tpu.memory_space<vmem>>) semaphore(%arg16 : memref<!tpu.dma_semaphore, #tpu.memory_space<semaphore_mem>>)
    %dma_start3A_25 = arith.constant 3 : i32
    %dma_start3A_26 = arith.constant 0 : i32
    %dma_start3A_27 = tpu.memref_slice %arg5[%dma_start3A_25, %dma_start3A_26] : memref<400x64xi32, #tpu.memory_space<vmem>> -> memref<1x64xi32, #tpu.memory_space<vmem>>
    %dma_start3A_28 = tpu.memref_squeeze %dma_start3A_27 : memref<1x64xi32, #tpu.memory_space<vmem>> -> memref<64xi32, #tpu.memory_space<vmem>>
    %dma_start3A_29 = arith.constant 0 : i32
    %dma_start3A_30 = arith.constant 0 : i32
    %dma_start3A_31 = tpu.memref_slice %arg2[%dma_start3A_29, %dma_start3A_30] : memref<100000x128xf32, #tpu.memory_space<hbm>> -> memref<100000x128xf32, #tpu.memory_space<hbm>>
    tpu.enqueue_indirect_dma source(%dma_start3A_31 : memref<100000x128xf32, #tpu.memory_space<hbm>>) target(%arg9 : memref<64x128xf32, #tpu.memory_space<vmem>>) offsets(%dma_start3A_28 : memref<64xi32, #tpu.memory_space<vmem>>) semaphore(%arg17 : memref<!tpu.dma_semaphore, #tpu.memory_space<semaphore_mem>>)
    %scan3A = arith.constant 0 : i32
    %scan3A_32 = arith.constant 50 : i32
    %scan3A_33 = arith.addi %scan3A, %scan3A_32 : i32
    %scan3A_34 = arith.constant 1 : i32
    scf.for %scan3A_67 = %scan3A to %scan3A_33 step %scan3A_34  : i32 {
      %mul3A_68 = arith.constant 2 : i32
      %mul3A_69 = arith.muli %scan3A_67, %mul3A_68 : i32
      %add3A_70 = arith.constant 0 : i32
      %add3A_71 = arith.addi %add3A_70, %mul3A_69 : i32
      %mul3A_72 = arith.constant 4 : i32
      %mul3A_73 = arith.muli %add3A_71, %mul3A_72 : i32
      %add3A_74 = arith.constant 0 : i32
      %add3A_75 = arith.addi %mul3A_73, %add3A_74 : i32
      %dma_wait3A_76 = arith.constant 0 : i32
      %dma_wait3A_77 = tpu.memref_slice %arg5[%add3A_75, %dma_wait3A_76] : memref<400x64xi32, #tpu.memory_space<vmem>> -> memref<1x64xi32, #tpu.memory_space<vmem>>
      %dma_wait3A_78 = tpu.memref_squeeze %dma_wait3A_77 : memref<1x64xi32, #tpu.memory_space<vmem>> -> memref<64xi32, #tpu.memory_space<vmem>>
      %dma_wait3A_79 = arith.constant 0 : i32
      %dma_wait3A_80 = arith.constant 0 : i32
      %dma_wait3A_81 = tpu.memref_slice %arg2[%dma_wait3A_79, %dma_wait3A_80] : memref<100000x128xf32, #tpu.memory_space<hbm>> -> memref<100000x128xf32, #tpu.memory_space<hbm>>
      tpu.wait_indirect_dma semaphore(%arg14 : memref<!tpu.dma_semaphore, #tpu.memory_space<semaphore_mem>>) src(%dma_wait3A_81 : memref<100000x128xf32, #tpu.memory_space<hbm>>) dst(%arg6 : memref<64x128xf32, #tpu.memory_space<vmem>>)
      %add3A_82 = arith.constant 0 : i32
      %add3A_83 = arith.addi %mul3A_73, %add3A_82 : i32
      %mul3A_84 = arith.constant 64 : i32
      %mul3A_85 = arith.muli %add3A_83, %mul3A_84 : i32
      %add3A_86 = arith.addi %mul3A_2, %mul3A_85 : i32
      %dma_start3A_87 = arith.constant 0 : i32
      %dma_start3A_88 = tpu.memref_slice %arg4[%add3A_86, %dma_start3A_87] : memref<819200x128xf32, #tpu.memory_space<hbm>> -> memref<64x128xf32, #tpu.memory_space<hbm>>
      %dma_start3A_89 = arith.constant 0 : i32
      %dma_start3A_90 = tpu.memref_slice %arg4[%add3A_86, %dma_start3A_89] : memref<819200x128xf32, #tpu.memory_space<hbm>> -> memref<64x128xf32, #tpu.memory_space<hbm>>
      tpu.enqueue_dma source(%arg6 : memref<64x128xf32, #tpu.memory_space<vmem>>) target(%dma_start3A_90 : memref<64x128xf32, #tpu.memory_space<hbm>>) target_semaphore(%arg22 : memref<!tpu.dma_semaphore, #tpu.memory_space<semaphore_mem>>)
      %ge3A = arith.constant 1 : i32
      %ge3A_91 = arith.cmpi sge, %add3A_71, %ge3A : i32
      %convert_element_type3A = arith.extui %ge3A_91 : i1 to i32
      %cond3A = arith.constant 0 : i32
      %cond3A_92 = arith.cmpi ne, %convert_element_type3A, %cond3A : i32
      scf.if %cond3A_92 {
        %dma_wait3A_212 = arith.constant 0 : i32
        %dma_wait3A_213 = tpu.memref_slice %arg4[%mul3A_2, %dma_wait3A_212] : memref<819200x128xf32, #tpu.memory_space<hbm>> -> memref<64x128xf32, #tpu.memory_space<hbm>>
        %dma_wait3A_214 = arith.constant 0 : i32
        %dma_wait3A_215 = tpu.memref_slice %arg4[%mul3A_2, %dma_wait3A_214] : memref<819200x128xf32, #tpu.memory_space<hbm>> -> memref<64x128xf32, #tpu.memory_space<hbm>>
        tpu.wait_dma2 semaphore(%arg26 : memref<!tpu.dma_semaphore, #tpu.memory_space<semaphore_mem>>) src(%arg10 : memref<64x128xf32, #tpu.memory_space<vmem>>) dst(%dma_wait3A_215 : memref<64x128xf32, #tpu.memory_space<hbm>>)
      } else {
      }
      %add3A_93 = arith.constant 4 : i32
      %add3A_94 = arith.addi %mul3A_73, %add3A_93 : i32
      %add3A_95 = arith.constant 0 : i32
      %add3A_96 = arith.addi %add3A_94, %add3A_95 : i32
      %dma_start3A_97 = arith.constant 0 : i32
      %dma_start3A_98 = tpu.memref_slice %arg5[%add3A_96, %dma_start3A_97] : memref<400x64xi32, #tpu.memory_space<vmem>> -> memref<1x64xi32, #tpu.memory_space<vmem>>
      %dma_start3A_99 = tpu.memref_squeeze %dma_start3A_98 : memref<1x64xi32, #tpu.memory_space<vmem>> -> memref<64xi32, #tpu.memory_space<vmem>>
      %dma_start3A_100 = arith.constant 0 : i32
      %dma_start3A_101 = arith.constant 0 : i32
      %dma_start3A_102 = tpu.memref_slice %arg2[%dma_start3A_100, %dma_start3A_101] : memref<100000x128xf32, #tpu.memory_space<hbm>> -> memref<100000x128xf32, #tpu.memory_space<hbm>>
      tpu.enqueue_indirect_dma source(%dma_start3A_102 : memref<100000x128xf32, #tpu.memory_space<hbm>>) target(%arg10 : memref<64x128xf32, #tpu.memory_space<vmem>>) offsets(%dma_start3A_99 : memref<64xi32, #tpu.memory_space<vmem>>) semaphore(%arg18 : memref<!tpu.dma_semaphore, #tpu.memory_space<semaphore_mem>>)
      %add3A_103 = arith.constant 1 : i32
      %add3A_104 = arith.addi %mul3A_73, %add3A_103 : i32
      %dma_wait3A_105 = arith.constant 0 : i32
      %dma_wait3A_106 = tpu.memref_slice %arg5[%add3A_104, %dma_wait3A_105] : memref<400x64xi32, #tpu.memory_space<vmem>> -> memref<1x64xi32, #tpu.memory_space<vmem>>
      %dma_wait3A_107 = tpu.memref_squeeze %dma_wait3A_106 : memref<1x64xi32, #tpu.memory_space<vmem>> -> memref<64xi32, #tpu.memory_space<vmem>>
      %dma_wait3A_108 = arith.constant 0 : i32
      %dma_wait3A_109 = arith.constant 0 : i32
      %dma_wait3A_110 = tpu.memref_slice %arg2[%dma_wait3A_108, %dma_wait3A_109] : memref<100000x128xf32, #tpu.memory_space<hbm>> -> memref<100000x128xf32, #tpu.memory_space<hbm>>
      tpu.wait_indirect_dma semaphore(%arg15 : memref<!tpu.dma_semaphore, #tpu.memory_space<semaphore_mem>>) src(%dma_wait3A_110 : memref<100000x128xf32, #tpu.memory_space<hbm>>) dst(%arg7 : memref<64x128xf32, #tpu.memory_space<vmem>>)
      %add3A_111 = arith.constant 1 : i32
      %add3A_112 = arith.addi %mul3A_73, %add3A_111 : i32
      %mul3A_113 = arith.constant 64 : i32
      %mul3A_114 = arith.muli %add3A_112, %mul3A_113 : i32
      %add3A_115 = arith.addi %mul3A_2, %mul3A_114 : i32
      %dma_start3A_116 = arith.constant 0 : i32
      %dma_start3A_117 = tpu.memref_slice %arg4[%add3A_115, %dma_start3A_116] : memref<819200x128xf32, #tpu.memory_space<hbm>> -> memref<64x128xf32, #tpu.memory_space<hbm>>
      %dma_start3A_118 = arith.constant 0 : i32
      %dma_start3A_119 = tpu.memref_slice %arg4[%add3A_115, %dma_start3A_118] : memref<819200x128xf32, #tpu.memory_space<hbm>> -> memref<64x128xf32, #tpu.memory_space<hbm>>
      tpu.enqueue_dma source(%arg7 : memref<64x128xf32, #tpu.memory_space<vmem>>) target(%dma_start3A_119 : memref<64x128xf32, #tpu.memory_space<hbm>>) target_semaphore(%arg23 : memref<!tpu.dma_semaphore, #tpu.memory_space<semaphore_mem>>)
      %ge3A_120 = arith.constant 1 : i32
      %ge3A_121 = arith.cmpi sge, %add3A_71, %ge3A_120 : i32
      %convert_element_type3A_122 = arith.extui %ge3A_121 : i1 to i32
      %cond3A_123 = arith.constant 0 : i32
      %cond3A_124 = arith.cmpi ne, %convert_element_type3A_122, %cond3A_123 : i32
      scf.if %cond3A_124 {
        %dma_wait3A_212 = arith.constant 0 : i32
        %dma_wait3A_213 = tpu.memref_slice %arg4[%mul3A_2, %dma_wait3A_212] : memref<819200x128xf32, #tpu.memory_space<hbm>> -> memref<64x128xf32, #tpu.memory_space<hbm>>
        %dma_wait3A_214 = arith.constant 0 : i32
        %dma_wait3A_215 = tpu.memref_slice %arg4[%mul3A_2, %dma_wait3A_214] : memref<819200x128xf32, #tpu.memory_space<hbm>> -> memref<64x128xf32, #tpu.memory_space<hbm>>
        tpu.wait_dma2 semaphore(%arg27 : memref<!tpu.dma_semaphore, #tpu.memory_space<semaphore_mem>>) src(%arg11 : memref<64x128xf32, #tpu.memory_space<vmem>>) dst(%dma_wait3A_215 : memref<64x128xf32, #tpu.memory_space<hbm>>)
      } else {
      }
      %add3A_125 = arith.constant 4 : i32
      %add3A_126 = arith.addi %mul3A_73, %add3A_125 : i32
      %add3A_127 = arith.constant 1 : i32
      %add3A_128 = arith.addi %add3A_126, %add3A_127 : i32
      %dma_start3A_129 = arith.constant 0 : i32
      %dma_start3A_130 = tpu.memref_slice %arg5[%add3A_128, %dma_start3A_129] : memref<400x64xi32, #tpu.memory_space<vmem>> -> memref<1x64xi32, #tpu.memory_space<vmem>>
      %dma_start3A_131 = tpu.memref_squeeze %dma_start3A_130 : memref<1x64xi32, #tpu.memory_space<vmem>> -> memref<64xi32, #tpu.memory_space<vmem>>
      %dma_start3A_132 = arith.constant 0 : i32
      %dma_start3A_133 = arith.constant 0 : i32
      %dma_start3A_134 = tpu.memref_slice %arg2[%dma_start3A_132, %dma_start3A_133] : memref<100000x128xf32, #tpu.memory_space<hbm>> -> memref<100000x128xf32, #tpu.memory_space<hbm>>
      tpu.enqueue_indirect_dma source(%dma_start3A_134 : memref<100000x128xf32, #tpu.memory_space<hbm>>) target(%arg11 : memref<64x128xf32, #tpu.memory_space<vmem>>) offsets(%dma_start3A_131 : memref<64xi32, #tpu.memory_space<vmem>>) semaphore(%arg19 : memref<!tpu.dma_semaphore, #tpu.memory_space<semaphore_mem>>)
      %add3A_135 = arith.constant 2 : i32
      %add3A_136 = arith.addi %mul3A_73, %add3A_135 : i32
      %dma_wait3A_137 = arith.constant 0 : i32
      %dma_wait3A_138 = tpu.memref_slice %arg5[%add3A_136, %dma_wait3A_137] : memref<400x64xi32, #tpu.memory_space<vmem>> -> memref<1x64xi32, #tpu.memory_space<vmem>>
      %dma_wait3A_139 = tpu.memref_squeeze %dma_wait3A_138 : memref<1x64xi32, #tpu.memory_space<vmem>> -> memref<64xi32, #tpu.memory_space<vmem>>
      %dma_wait3A_140 = arith.constant 0 : i32
      %dma_wait3A_141 = arith.constant 0 : i32
      %dma_wait3A_142 = tpu.memref_slice %arg2[%dma_wait3A_140, %dma_wait3A_141] : memref<100000x128xf32, #tpu.memory_space<hbm>> -> memref<100000x128xf32, #tpu.memory_space<hbm>>
      tpu.wait_indirect_dma semaphore(%arg16 : memref<!tpu.dma_semaphore, #tpu.memory_space<semaphore_mem>>) src(%dma_wait3A_142 : memref<100000x128xf32, #tpu.memory_space<hbm>>) dst(%arg8 : memref<64x128xf32, #tpu.memory_space<vmem>>)
      %add3A_143 = arith.constant 2 : i32
      %add3A_144 = arith.addi %mul3A_73, %add3A_143 : i32
      %mul3A_145 = arith.constant 64 : i32
      %mul3A_146 = arith.muli %add3A_144, %mul3A_145 : i32
      %add3A_147 = arith.addi %mul3A_2, %mul3A_146 : i32
      %dma_start3A_148 = arith.constant 0 : i32
      %dma_start3A_149 = tpu.memref_slice %arg4[%add3A_147, %dma_start3A_148] : memref<819200x128xf32, #tpu.memory_space<hbm>> -> memref<64x128xf32, #tpu.memory_space<hbm>>
      %dma_start3A_150 = arith.constant 0 : i32
      %dma_start3A_151 = tpu.memref_slice %arg4[%add3A_147, %dma_start3A_150] : memref<819200x128xf32, #tpu.memory_space<hbm>> -> memref<64x128xf32, #tpu.memory_space<hbm>>
      tpu.enqueue_dma source(%arg8 : memref<64x128xf32, #tpu.memory_space<vmem>>) target(%dma_start3A_151 : memref<64x128xf32, #tpu.memory_space<hbm>>) target_semaphore(%arg24 : memref<!tpu.dma_semaphore, #tpu.memory_space<semaphore_mem>>)
      %ge3A_152 = arith.constant 1 : i32
      %ge3A_153 = arith.cmpi sge, %add3A_71, %ge3A_152 : i32
      %convert_element_type3A_154 = arith.extui %ge3A_153 : i1 to i32
      %cond3A_155 = arith.constant 0 : i32
      %cond3A_156 = arith.cmpi ne, %convert_element_type3A_154, %cond3A_155 : i32
      scf.if %cond3A_156 {
        %dma_wait3A_212 = arith.constant 0 : i32
        %dma_wait3A_213 = tpu.memref_slice %arg4[%mul3A_2, %dma_wait3A_212] : memref<819200x128xf32, #tpu.memory_space<hbm>> -> memref<64x128xf32, #tpu.memory_space<hbm>>
        %dma_wait3A_214 = arith.constant 0 : i32
        %dma_wait3A_215 = tpu.memref_slice %arg4[%mul3A_2, %dma_wait3A_214] : memref<819200x128xf32, #tpu.memory_space<hbm>> -> memref<64x128xf32, #tpu.memory_space<hbm>>
        tpu.wait_dma2 semaphore(%arg28 : memref<!tpu.dma_semaphore, #tpu.memory_space<semaphore_mem>>) src(%arg12 : memref<64x128xf32, #tpu.memory_space<vmem>>) dst(%dma_wait3A_215 : memref<64x128xf32, #tpu.memory_space<hbm>>)
      } else {
      }
      %add3A_157 = arith.constant 4 : i32
      %add3A_158 = arith.addi %mul3A_73, %add3A_157 : i32
      %add3A_159 = arith.constant 2 : i32
      %add3A_160 = arith.addi %add3A_158, %add3A_159 : i32
      %dma_start3A_161 = arith.constant 0 : i32
      %dma_start3A_162 = tpu.memref_slice %arg5[%add3A_160, %dma_start3A_161] : memref<400x64xi32, #tpu.memory_space<vmem>> -> memref<1x64xi32, #tpu.memory_space<vmem>>
      %dma_start3A_163 = tpu.memref_squeeze %dma_start3A_162 : memref<1x64xi32, #tpu.memory_space<vmem>> -> memref<64xi32, #tpu.memory_space<vmem>>
      %dma_start3A_164 = arith.constant 0 : i32
      %dma_start3A_165 = arith.constant 0 : i32
      %dma_start3A_166 = tpu.memref_slice %arg2[%dma_start3A_164, %dma_start3A_165] : memref<100000x128xf32, #tpu.memory_space<hbm>> -> memref<100000x128xf32, #tpu.memory_space<hbm>>
      tpu.enqueue_indirect_dma source(%dma_start3A_166 : memref<100000x128xf32, #tpu.memory_space<hbm>>) target(%arg12 : memref<64x128xf32, #tpu.memory_space<vmem>>) offsets(%dma_start3A_163 : memref<64xi32, #tpu.memory_space<vmem>>) semaphore(%arg20 : memref<!tpu.dma_semaphore, #tpu.memory_space<semaphore_mem>>)
      %add3A_167 = arith.constant 3 : i32
      %add3A_168 = arith.addi %mul3A_73, %add3A_167 : i32
      %dma_wait3A_169 = arith.constant 0 : i32
      %dma_wait3A_170 = tpu.memref_slice %arg5[%add3A_168, %dma_wait3A_169] : memref<400x64xi32, #tpu.memory_space<vmem>> -> memref<1x64xi32, #tpu.memory_space<vmem>>
      %dma_wait3A_171 = tpu.memref_squeeze %dma_wait3A_170 : memref<1x64xi32, #tpu.memory_space<vmem>> -> memref<64xi32, #tpu.memory_space<vmem>>
      %dma_wait3A_172 = arith.constant 0 : i32
      %dma_wait3A_173 = arith.constant 0 : i32
      %dma_wait3A_174 = tpu.memref_slice %arg2[%dma_wait3A_172, %dma_wait3A_173] : memref<100000x128xf32, #tpu.memory_space<hbm>> -> memref<100000x128xf32, #tpu.memory_space<hbm>>
      tpu.wait_indirect_dma semaphore(%arg17 : memref<!tpu.dma_semaphore, #tpu.memory_space<semaphore_mem>>) src(%dma_wait3A_174 : memref<100000x128xf32, #tpu.memory_space<hbm>>) dst(%arg9 : memref<64x128xf32, #tpu.memory_space<vmem>>)
      %add3A_175 = arith.constant 3 : i32
      %add3A_176 = arith.addi %mul3A_73, %add3A_175 : i32
      %mul3A_177 = arith.constant 64 : i32
      %mul3A_178 = arith.muli %add3A_176, %mul3A_177 : i32
      %add3A_179 = arith.addi %mul3A_2, %mul3A_178 : i32
      %dma_start3A_180 = arith.constant 0 : i32
      %dma_start3A_181 = tpu.memref_slice %arg4[%add3A_179, %dma_start3A_180] : memref<819200x128xf32, #tpu.memory_space<hbm>> -> memref<64x128xf32, #tpu.memory_space<hbm>>
      %dma_start3A_182 = arith.constant 0 : i32
      %dma_start3A_183 = tpu.memref_slice %arg4[%add3A_179, %dma_start3A_182] : memref<819200x128xf32, #tpu.memory_space<hbm>> -> memref<64x128xf32, #tpu.memory_space<hbm>>
      tpu.enqueue_dma source(%arg9 : memref<64x128xf32, #tpu.memory_space<vmem>>) target(%dma_start3A_183 : memref<64x128xf32, #tpu.memory_space<hbm>>) target_semaphore(%arg25 : memref<!tpu.dma_semaphore, #tpu.memory_space<semaphore_mem>>)
      %ge3A_184 = arith.constant 1 : i32
      %ge3A_185 = arith.cmpi sge, %add3A_71, %ge3A_184 : i32
      %convert_element_type3A_186 = arith.extui %ge3A_185 : i1 to i32
      %cond3A_187 = arith.constant 0 : i32
      %cond3A_188 = arith.cmpi ne, %convert_element_type3A_186, %cond3A_187 : i32
      scf.if %cond3A_188 {
        %dma_wait3A_212 = arith.constant 0 : i32
        %dma_wait3A_213 = tpu.memref_slice %arg4[%mul3A_2, %dma_wait3A_212] : memref<819200x128xf32, #tpu.memory_space<hbm>> -> memref<64x128xf32, #tpu.memory_space<hbm>>
        %dma_wait3A_214 = arith.constant 0 : i32
        %dma_wait3A_215 = tpu.memref_slice %arg4[%mul3A_2, %dma_wait3A_214] : memref<819200x128xf32, #tpu.memory_space<hbm>> -> memref<64x128xf32, #tpu.memory_space<hbm>>
        tpu.wait_dma2 semaphore(%arg29 : memref<!tpu.dma_semaphore, #tpu.memory_space<semaphore_mem>>) src(%arg13 : memref<64x128xf32, #tpu.memory_space<vmem>>) dst(%dma_wait3A_215 : memref<64x128xf32, #tpu.memory_space<hbm>>)
      } else {
      }
      %add3A_189 = arith.constant 4 : i32
      %add3A_190 = arith.addi %mul3A_73, %add3A_189 : i32
      %add3A_191 = arith.constant 3 : i32
      %add3A_192 = arith.addi %add3A_190, %add3A_191 : i32
      %dma_start3A_193 = arith.constant 0 : i32
      %dma_start3A_194 = tpu.memref_slice %arg5[%add3A_192, %dma_start3A_193] : memref<400x64xi32, #tpu.memory_space<vmem>> -> memref<1x64xi32, #tpu.memory_space<vmem>>
      %dma_start3A_195 = tpu.memref_squeeze %dma_start3A_194 : memref<1x64xi32, #tpu.memory_space<vmem>> -> memref<64xi32, #tpu.memory_space<vmem>>
      %dma_start3A_196 = arith.constant 0 : i32
      %dma_start3A_197 = arith.constant 0 : i32
      %dma_start3A_198 = tpu.memref_slice %arg2[%dma_start3A_196, %dma_start3A_197] : memref<100000x128xf32, #tpu.memory_space<hbm>> -> memref<100000x128xf32, #tpu.memory_space<hbm>>
      tpu.enqueue_indirect_dma source(%dma_start3A_198 : memref<100000x128xf32, #tpu.memory_space<hbm>>) target(%arg13 : memref<64x128xf32, #tpu.memory_space<vmem>>) offsets(%dma_start3A_195 : memref<64xi32, #tpu.memory_space<vmem>>) semaphore(%arg21 : memref<!tpu.dma_semaphore, #tpu.memory_space<semaphore_mem>>)
      %add3A_199 = arith.constant 2 : i32
      %add3A_200 = arith.addi %add3A_71, %add3A_199 : i32
      %lt3A = arith.constant 100 : i32
      %lt3A_201 = arith.cmpi slt, %add3A_200, %lt3A : i32
      %convert_element_type3A_202 = arith.extui %lt3A_201 : i1 to i32
      %cond3A_203 = arith.constant 0 : i32
      %cond3A_204 = arith.cmpi ne, %convert_element_type3A_202, %cond3A_203 : i32
      scf.if %cond3A_204 {
        %add3A_212 = arith.constant 1 : i32
        %add3A_213 = arith.addi %add3A_71, %add3A_212 : i32
        %mul3A_214 = arith.constant 4 : i32
        %mul3A_215 = arith.muli %add3A_213, %mul3A_214 : i32
        %add3A_216 = arith.constant 0 : i32
        %add3A_217 = arith.addi %mul3A_215, %add3A_216 : i32
        %dma_wait3A_218 = arith.constant 0 : i32
        %dma_wait3A_219 = tpu.memref_slice %arg5[%add3A_217, %dma_wait3A_218] : memref<400x64xi32, #tpu.memory_space<vmem>> -> memref<1x64xi32, #tpu.memory_space<vmem>>
        %dma_wait3A_220 = tpu.memref_squeeze %dma_wait3A_219 : memref<1x64xi32, #tpu.memory_space<vmem>> -> memref<64xi32, #tpu.memory_space<vmem>>
        %dma_wait3A_221 = arith.constant 0 : i32
        %dma_wait3A_222 = arith.constant 0 : i32
        %dma_wait3A_223 = tpu.memref_slice %arg2[%dma_wait3A_221, %dma_wait3A_222] : memref<100000x128xf32, #tpu.memory_space<hbm>> -> memref<100000x128xf32, #tpu.memory_space<hbm>>
        tpu.wait_indirect_dma semaphore(%arg18 : memref<!tpu.dma_semaphore, #tpu.memory_space<semaphore_mem>>) src(%dma_wait3A_223 : memref<100000x128xf32, #tpu.memory_space<hbm>>) dst(%arg10 : memref<64x128xf32, #tpu.memory_space<vmem>>)
        %add3A_224 = arith.constant 0 : i32
        %add3A_225 = arith.addi %mul3A_215, %add3A_224 : i32
        %mul3A_226 = arith.constant 64 : i32
        %mul3A_227 = arith.muli %add3A_225, %mul3A_226 : i32
        %add3A_228 = arith.addi %mul3A_2, %mul3A_227 : i32
        %dma_start3A_229 = arith.constant 0 : i32
        %dma_start3A_230 = tpu.memref_slice %arg4[%add3A_228, %dma_start3A_229] : memref<819200x128xf32, #tpu.memory_space<hbm>> -> memref<64x128xf32, #tpu.memory_space<hbm>>
        %dma_start3A_231 = arith.constant 0 : i32
        %dma_start3A_232 = tpu.memref_slice %arg4[%add3A_228, %dma_start3A_231] : memref<819200x128xf32, #tpu.memory_space<hbm>> -> memref<64x128xf32, #tpu.memory_space<hbm>>
        tpu.enqueue_dma source(%arg10 : memref<64x128xf32, #tpu.memory_space<vmem>>) target(%dma_start3A_232 : memref<64x128xf32, #tpu.memory_space<hbm>>) target_semaphore(%arg26 : memref<!tpu.dma_semaphore, #tpu.memory_space<semaphore_mem>>)
        %ge3A_233 = arith.constant 1 : i32
        %ge3A_234 = arith.cmpi sge, %add3A_213, %ge3A_233 : i32
        %convert_element_type3A_235 = arith.extui %ge3A_234 : i1 to i32
        %cond3A_236 = arith.constant 0 : i32
        %cond3A_237 = arith.cmpi ne, %convert_element_type3A_235, %cond3A_236 : i32
        scf.if %cond3A_237 {
          %dma_wait3A_344 = arith.constant 0 : i32
          %dma_wait3A_345 = tpu.memref_slice %arg4[%mul3A_2, %dma_wait3A_344] : memref<819200x128xf32, #tpu.memory_space<hbm>> -> memref<64x128xf32, #tpu.memory_space<hbm>>
          %dma_wait3A_346 = arith.constant 0 : i32
          %dma_wait3A_347 = tpu.memref_slice %arg4[%mul3A_2, %dma_wait3A_346] : memref<819200x128xf32, #tpu.memory_space<hbm>> -> memref<64x128xf32, #tpu.memory_space<hbm>>
          tpu.wait_dma2 semaphore(%arg22 : memref<!tpu.dma_semaphore, #tpu.memory_space<semaphore_mem>>) src(%arg6 : memref<64x128xf32, #tpu.memory_space<vmem>>) dst(%dma_wait3A_347 : memref<64x128xf32, #tpu.memory_space<hbm>>)
        } else {
        }
        %add3A_238 = arith.constant 4 : i32
        %add3A_239 = arith.addi %mul3A_215, %add3A_238 : i32
        %add3A_240 = arith.constant 0 : i32
        %add3A_241 = arith.addi %add3A_239, %add3A_240 : i32
        %dma_start3A_242 = arith.constant 0 : i32
        %dma_start3A_243 = tpu.memref_slice %arg5[%add3A_241, %dma_start3A_242] : memref<400x64xi32, #tpu.memory_space<vmem>> -> memref<1x64xi32, #tpu.memory_space<vmem>>
        %dma_start3A_244 = tpu.memref_squeeze %dma_start3A_243 : memref<1x64xi32, #tpu.memory_space<vmem>> -> memref<64xi32, #tpu.memory_space<vmem>>
        %dma_start3A_245 = arith.constant 0 : i32
        %dma_start3A_246 = arith.constant 0 : i32
        %dma_start3A_247 = tpu.memref_slice %arg2[%dma_start3A_245, %dma_start3A_246] : memref<100000x128xf32, #tpu.memory_space<hbm>> -> memref<100000x128xf32, #tpu.memory_space<hbm>>
        tpu.enqueue_indirect_dma source(%dma_start3A_247 : memref<100000x128xf32, #tpu.memory_space<hbm>>) target(%arg6 : memref<64x128xf32, #tpu.memory_space<vmem>>) offsets(%dma_start3A_244 : memref<64xi32, #tpu.memory_space<vmem>>) semaphore(%arg14 : memref<!tpu.dma_semaphore, #tpu.memory_space<semaphore_mem>>)
        %add3A_248 = arith.constant 1 : i32
        %add3A_249 = arith.addi %mul3A_215, %add3A_248 : i32
        %dma_wait3A_250 = arith.constant 0 : i32
        %dma_wait3A_251 = tpu.memref_slice %arg5[%add3A_249, %dma_wait3A_250] : memref<400x64xi32, #tpu.memory_space<vmem>> -> memref<1x64xi32, #tpu.memory_space<vmem>>
        %dma_wait3A_252 = tpu.memref_squeeze %dma_wait3A_251 : memref<1x64xi32, #tpu.memory_space<vmem>> -> memref<64xi32, #tpu.memory_space<vmem>>
        %dma_wait3A_253 = arith.constant 0 : i32
        %dma_wait3A_254 = arith.constant 0 : i32
        %dma_wait3A_255 = tpu.memref_slice %arg2[%dma_wait3A_253, %dma_wait3A_254] : memref<100000x128xf32, #tpu.memory_space<hbm>> -> memref<100000x128xf32, #tpu.memory_space<hbm>>
        tpu.wait_indirect_dma semaphore(%arg19 : memref<!tpu.dma_semaphore, #tpu.memory_space<semaphore_mem>>) src(%dma_wait3A_255 : memref<100000x128xf32, #tpu.memory_space<hbm>>) dst(%arg11 : memref<64x128xf32, #tpu.memory_space<vmem>>)
        %add3A_256 = arith.constant 1 : i32
        %add3A_257 = arith.addi %mul3A_215, %add3A_256 : i32
        %mul3A_258 = arith.constant 64 : i32
        %mul3A_259 = arith.muli %add3A_257, %mul3A_258 : i32
        %add3A_260 = arith.addi %mul3A_2, %mul3A_259 : i32
        %dma_start3A_261 = arith.constant 0 : i32
        %dma_start3A_262 = tpu.memref_slice %arg4[%add3A_260, %dma_start3A_261] : memref<819200x128xf32, #tpu.memory_space<hbm>> -> memref<64x128xf32, #tpu.memory_space<hbm>>
        %dma_start3A_263 = arith.constant 0 : i32
        %dma_start3A_264 = tpu.memref_slice %arg4[%add3A_260, %dma_start3A_263] : memref<819200x128xf32, #tpu.memory_space<hbm>> -> memref<64x128xf32, #tpu.memory_space<hbm>>
        tpu.enqueue_dma source(%arg11 : memref<64x128xf32, #tpu.memory_space<vmem>>) target(%dma_start3A_264 : memref<64x128xf32, #tpu.memory_space<hbm>>) target_semaphore(%arg27 : memref<!tpu.dma_semaphore, #tpu.memory_space<semaphore_mem>>)
        %ge3A_265 = arith.constant 1 : i32
        %ge3A_266 = arith.cmpi sge, %add3A_213, %ge3A_265 : i32
        %convert_element_type3A_267 = arith.extui %ge3A_266 : i1 to i32
        %cond3A_268 = arith.constant 0 : i32
        %cond3A_269 = arith.cmpi ne, %convert_element_type3A_267, %cond3A_268 : i32
        scf.if %cond3A_269 {
          %dma_wait3A_344 = arith.constant 0 : i32
          %dma_wait3A_345 = tpu.memref_slice %arg4[%mul3A_2, %dma_wait3A_344] : memref<819200x128xf32, #tpu.memory_space<hbm>> -> memref<64x128xf32, #tpu.memory_space<hbm>>
          %dma_wait3A_346 = arith.constant 0 : i32
          %dma_wait3A_347 = tpu.memref_slice %arg4[%mul3A_2, %dma_wait3A_346] : memref<819200x128xf32, #tpu.memory_space<hbm>> -> memref<64x128xf32, #tpu.memory_space<hbm>>
          tpu.wait_dma2 semaphore(%arg23 : memref<!tpu.dma_semaphore, #tpu.memory_space<semaphore_mem>>) src(%arg7 : memref<64x128xf32, #tpu.memory_space<vmem>>) dst(%dma_wait3A_347 : memref<64x128xf32, #tpu.memory_space<hbm>>)
        } else {
        }
        %add3A_270 = arith.constant 4 : i32
        %add3A_271 = arith.addi %mul3A_215, %add3A_270 : i32
        %add3A_272 = arith.constant 1 : i32
        %add3A_273 = arith.addi %add3A_271, %add3A_272 : i32
        %dma_start3A_274 = arith.constant 0 : i32
        %dma_start3A_275 = tpu.memref_slice %arg5[%add3A_273, %dma_start3A_274] : memref<400x64xi32, #tpu.memory_space<vmem>> -> memref<1x64xi32, #tpu.memory_space<vmem>>
        %dma_start3A_276 = tpu.memref_squeeze %dma_start3A_275 : memref<1x64xi32, #tpu.memory_space<vmem>> -> memref<64xi32, #tpu.memory_space<vmem>>
        %dma_start3A_277 = arith.constant 0 : i32
        %dma_start3A_278 = arith.constant 0 : i32
        %dma_start3A_279 = tpu.memref_slice %arg2[%dma_start3A_277, %dma_start3A_278] : memref<100000x128xf32, #tpu.memory_space<hbm>> -> memref<100000x128xf32, #tpu.memory_space<hbm>>
        tpu.enqueue_indirect_dma source(%dma_start3A_279 : memref<100000x128xf32, #tpu.memory_space<hbm>>) target(%arg7 : memref<64x128xf32, #tpu.memory_space<vmem>>) offsets(%dma_start3A_276 : memref<64xi32, #tpu.memory_space<vmem>>) semaphore(%arg15 : memref<!tpu.dma_semaphore, #tpu.memory_space<semaphore_mem>>)
        %add3A_280 = arith.constant 2 : i32
        %add3A_281 = arith.addi %mul3A_215, %add3A_280 : i32
        %dma_wait3A_282 = arith.constant 0 : i32
        %dma_wait3A_283 = tpu.memref_slice %arg5[%add3A_281, %dma_wait3A_282] : memref<400x64xi32, #tpu.memory_space<vmem>> -> memref<1x64xi32, #tpu.memory_space<vmem>>
        %dma_wait3A_284 = tpu.memref_squeeze %dma_wait3A_283 : memref<1x64xi32, #tpu.memory_space<vmem>> -> memref<64xi32, #tpu.memory_space<vmem>>
        %dma_wait3A_285 = arith.constant 0 : i32
        %dma_wait3A_286 = arith.constant 0 : i32
        %dma_wait3A_287 = tpu.memref_slice %arg2[%dma_wait3A_285, %dma_wait3A_286] : memref<100000x128xf32, #tpu.memory_space<hbm>> -> memref<100000x128xf32, #tpu.memory_space<hbm>>
        tpu.wait_indirect_dma semaphore(%arg20 : memref<!tpu.dma_semaphore, #tpu.memory_space<semaphore_mem>>) src(%dma_wait3A_287 : memref<100000x128xf32, #tpu.memory_space<hbm>>) dst(%arg12 : memref<64x128xf32, #tpu.memory_space<vmem>>)
        %add3A_288 = arith.constant 2 : i32
        %add3A_289 = arith.addi %mul3A_215, %add3A_288 : i32
        %mul3A_290 = arith.constant 64 : i32
        %mul3A_291 = arith.muli %add3A_289, %mul3A_290 : i32
        %add3A_292 = arith.addi %mul3A_2, %mul3A_291 : i32
        %dma_start3A_293 = arith.constant 0 : i32
        %dma_start3A_294 = tpu.memref_slice %arg4[%add3A_292, %dma_start3A_293] : memref<819200x128xf32, #tpu.memory_space<hbm>> -> memref<64x128xf32, #tpu.memory_space<hbm>>
        %dma_start3A_295 = arith.constant 0 : i32
        %dma_start3A_296 = tpu.memref_slice %arg4[%add3A_292, %dma_start3A_295] : memref<819200x128xf32, #tpu.memory_space<hbm>> -> memref<64x128xf32, #tpu.memory_space<hbm>>
        tpu.enqueue_dma source(%arg12 : memref<64x128xf32, #tpu.memory_space<vmem>>) target(%dma_start3A_296 : memref<64x128xf32, #tpu.memory_space<hbm>>) target_semaphore(%arg28 : memref<!tpu.dma_semaphore, #tpu.memory_space<semaphore_mem>>)
        %ge3A_297 = arith.constant 1 : i32
        %ge3A_298 = arith.cmpi sge, %add3A_213, %ge3A_297 : i32
        %convert_element_type3A_299 = arith.extui %ge3A_298 : i1 to i32
        %cond3A_300 = arith.constant 0 : i32
        %cond3A_301 = arith.cmpi ne, %convert_element_type3A_299, %cond3A_300 : i32
        scf.if %cond3A_301 {
          %dma_wait3A_344 = arith.constant 0 : i32
          %dma_wait3A_345 = tpu.memref_slice %arg4[%mul3A_2, %dma_wait3A_344] : memref<819200x128xf32, #tpu.memory_space<hbm>> -> memref<64x128xf32, #tpu.memory_space<hbm>>
          %dma_wait3A_346 = arith.constant 0 : i32
          %dma_wait3A_347 = tpu.memref_slice %arg4[%mul3A_2, %dma_wait3A_346] : memref<819200x128xf32, #tpu.memory_space<hbm>> -> memref<64x128xf32, #tpu.memory_space<hbm>>
          tpu.wait_dma2 semaphore(%arg24 : memref<!tpu.dma_semaphore, #tpu.memory_space<semaphore_mem>>) src(%arg8 : memref<64x128xf32, #tpu.memory_space<vmem>>) dst(%dma_wait3A_347 : memref<64x128xf32, #tpu.memory_space<hbm>>)
        } else {
        }
        %add3A_302 = arith.constant 4 : i32
        %add3A_303 = arith.addi %mul3A_215, %add3A_302 : i32
        %add3A_304 = arith.constant 2 : i32
        %add3A_305 = arith.addi %add3A_303, %add3A_304 : i32
        %dma_start3A_306 = arith.constant 0 : i32
        %dma_start3A_307 = tpu.memref_slice %arg5[%add3A_305, %dma_start3A_306] : memref<400x64xi32, #tpu.memory_space<vmem>> -> memref<1x64xi32, #tpu.memory_space<vmem>>
        %dma_start3A_308 = tpu.memref_squeeze %dma_start3A_307 : memref<1x64xi32, #tpu.memory_space<vmem>> -> memref<64xi32, #tpu.memory_space<vmem>>
        %dma_start3A_309 = arith.constant 0 : i32
        %dma_start3A_310 = arith.constant 0 : i32
        %dma_start3A_311 = tpu.memref_slice %arg2[%dma_start3A_309, %dma_start3A_310] : memref<100000x128xf32, #tpu.memory_space<hbm>> -> memref<100000x128xf32, #tpu.memory_space<hbm>>
        tpu.enqueue_indirect_dma source(%dma_start3A_311 : memref<100000x128xf32, #tpu.memory_space<hbm>>) target(%arg8 : memref<64x128xf32, #tpu.memory_space<vmem>>) offsets(%dma_start3A_308 : memref<64xi32, #tpu.memory_space<vmem>>) semaphore(%arg16 : memref<!tpu.dma_semaphore, #tpu.memory_space<semaphore_mem>>)
        %add3A_312 = arith.constant 3 : i32
        %add3A_313 = arith.addi %mul3A_215, %add3A_312 : i32
        %dma_wait3A_314 = arith.constant 0 : i32
        %dma_wait3A_315 = tpu.memref_slice %arg5[%add3A_313, %dma_wait3A_314] : memref<400x64xi32, #tpu.memory_space<vmem>> -> memref<1x64xi32, #tpu.memory_space<vmem>>
        %dma_wait3A_316 = tpu.memref_squeeze %dma_wait3A_315 : memref<1x64xi32, #tpu.memory_space<vmem>> -> memref<64xi32, #tpu.memory_space<vmem>>
        %dma_wait3A_317 = arith.constant 0 : i32
        %dma_wait3A_318 = arith.constant 0 : i32
        %dma_wait3A_319 = tpu.memref_slice %arg2[%dma_wait3A_317, %dma_wait3A_318] : memref<100000x128xf32, #tpu.memory_space<hbm>> -> memref<100000x128xf32, #tpu.memory_space<hbm>>
        tpu.wait_indirect_dma semaphore(%arg21 : memref<!tpu.dma_semaphore, #tpu.memory_space<semaphore_mem>>) src(%dma_wait3A_319 : memref<100000x128xf32, #tpu.memory_space<hbm>>) dst(%arg13 : memref<64x128xf32, #tpu.memory_space<vmem>>)
        %add3A_320 = arith.constant 3 : i32
        %add3A_321 = arith.addi %mul3A_215, %add3A_320 : i32
        %mul3A_322 = arith.constant 64 : i32
        %mul3A_323 = arith.muli %add3A_321, %mul3A_322 : i32
        %add3A_324 = arith.addi %mul3A_2, %mul3A_323 : i32
        %dma_start3A_325 = arith.constant 0 : i32
        %dma_start3A_326 = tpu.memref_slice %arg4[%add3A_324, %dma_start3A_325] : memref<819200x128xf32, #tpu.memory_space<hbm>> -> memref<64x128xf32, #tpu.memory_space<hbm>>
        %dma_start3A_327 = arith.constant 0 : i32
        %dma_start3A_328 = tpu.memref_slice %arg4[%add3A_324, %dma_start3A_327] : memref<819200x128xf32, #tpu.memory_space<hbm>> -> memref<64x128xf32, #tpu.memory_space<hbm>>
        tpu.enqueue_dma source(%arg13 : memref<64x128xf32, #tpu.memory_space<vmem>>) target(%dma_start3A_328 : memref<64x128xf32, #tpu.memory_space<hbm>>) target_semaphore(%arg29 : memref<!tpu.dma_semaphore, #tpu.memory_space<semaphore_mem>>)
        %ge3A_329 = arith.constant 1 : i32
        %ge3A_330 = arith.cmpi sge, %add3A_213, %ge3A_329 : i32
        %convert_element_type3A_331 = arith.extui %ge3A_330 : i1 to i32
        %cond3A_332 = arith.constant 0 : i32
        %cond3A_333 = arith.cmpi ne, %convert_element_type3A_331, %cond3A_332 : i32
        scf.if %cond3A_333 {
          %dma_wait3A_344 = arith.constant 0 : i32
          %dma_wait3A_345 = tpu.memref_slice %arg4[%mul3A_2, %dma_wait3A_344] : memref<819200x128xf32, #tpu.memory_space<hbm>> -> memref<64x128xf32, #tpu.memory_space<hbm>>
          %dma_wait3A_346 = arith.constant 0 : i32
          %dma_wait3A_347 = tpu.memref_slice %arg4[%mul3A_2, %dma_wait3A_346] : memref<819200x128xf32, #tpu.memory_space<hbm>> -> memref<64x128xf32, #tpu.memory_space<hbm>>
          tpu.wait_dma2 semaphore(%arg25 : memref<!tpu.dma_semaphore, #tpu.memory_space<semaphore_mem>>) src(%arg9 : memref<64x128xf32, #tpu.memory_space<vmem>>) dst(%dma_wait3A_347 : memref<64x128xf32, #tpu.memory_space<hbm>>)
        } else {
        }
        %add3A_334 = arith.constant 4 : i32
        %add3A_335 = arith.addi %mul3A_215, %add3A_334 : i32
        %add3A_336 = arith.constant 3 : i32
        %add3A_337 = arith.addi %add3A_335, %add3A_336 : i32
        %dma_start3A_338 = arith.constant 0 : i32
        %dma_start3A_339 = tpu.memref_slice %arg5[%add3A_337, %dma_start3A_338] : memref<400x64xi32, #tpu.memory_space<vmem>> -> memref<1x64xi32, #tpu.memory_space<vmem>>
        %dma_start3A_340 = tpu.memref_squeeze %dma_start3A_339 : memref<1x64xi32, #tpu.memory_space<vmem>> -> memref<64xi32, #tpu.memory_space<vmem>>
        %dma_start3A_341 = arith.constant 0 : i32
        %dma_start3A_342 = arith.constant 0 : i32
        %dma_start3A_343 = tpu.memref_slice %arg2[%dma_start3A_341, %dma_start3A_342] : memref<100000x128xf32, #tpu.memory_space<hbm>> -> memref<100000x128xf32, #tpu.memory_space<hbm>>
        tpu.enqueue_indirect_dma source(%dma_start3A_343 : memref<100000x128xf32, #tpu.memory_space<hbm>>) target(%arg9 : memref<64x128xf32, #tpu.memory_space<vmem>>) offsets(%dma_start3A_340 : memref<64xi32, #tpu.memory_space<vmem>>) semaphore(%arg17 : memref<!tpu.dma_semaphore, #tpu.memory_space<semaphore_mem>>)
      } else {
      }
      %add3A_205 = arith.constant 2 : i32
      %add3A_206 = arith.addi %add3A_71, %add3A_205 : i32
      %ge3A_207 = arith.constant 100 : i32
      %ge3A_208 = arith.cmpi sge, %add3A_206, %ge3A_207 : i32
      %convert_element_type3A_209 = arith.extui %ge3A_208 : i1 to i32
      %cond3A_210 = arith.constant 0 : i32
      %cond3A_211 = arith.cmpi ne, %convert_element_type3A_209, %cond3A_210 : i32
      scf.if %cond3A_211 {
        %add3A_212 = arith.constant 1 : i32
        %add3A_213 = arith.addi %add3A_71, %add3A_212 : i32
        %mul3A_214 = arith.constant 4 : i32
        %mul3A_215 = arith.muli %add3A_213, %mul3A_214 : i32
        %add3A_216 = arith.constant 0 : i32
        %add3A_217 = arith.addi %mul3A_215, %add3A_216 : i32
        %dma_wait3A_218 = arith.constant 0 : i32
        %dma_wait3A_219 = tpu.memref_slice %arg5[%add3A_217, %dma_wait3A_218] : memref<400x64xi32, #tpu.memory_space<vmem>> -> memref<1x64xi32, #tpu.memory_space<vmem>>
        %dma_wait3A_220 = tpu.memref_squeeze %dma_wait3A_219 : memref<1x64xi32, #tpu.memory_space<vmem>> -> memref<64xi32, #tpu.memory_space<vmem>>
        %dma_wait3A_221 = arith.constant 0 : i32
        %dma_wait3A_222 = arith.constant 0 : i32
        %dma_wait3A_223 = tpu.memref_slice %arg2[%dma_wait3A_221, %dma_wait3A_222] : memref<100000x128xf32, #tpu.memory_space<hbm>> -> memref<100000x128xf32, #tpu.memory_space<hbm>>
        tpu.wait_indirect_dma semaphore(%arg18 : memref<!tpu.dma_semaphore, #tpu.memory_space<semaphore_mem>>) src(%dma_wait3A_223 : memref<100000x128xf32, #tpu.memory_space<hbm>>) dst(%arg10 : memref<64x128xf32, #tpu.memory_space<vmem>>)
        %add3A_224 = arith.constant 0 : i32
        %add3A_225 = arith.addi %mul3A_215, %add3A_224 : i32
        %mul3A_226 = arith.constant 64 : i32
        %mul3A_227 = arith.muli %add3A_225, %mul3A_226 : i32
        %add3A_228 = arith.addi %mul3A_2, %mul3A_227 : i32
        %dma_start3A_229 = arith.constant 0 : i32
        %dma_start3A_230 = tpu.memref_slice %arg4[%add3A_228, %dma_start3A_229] : memref<819200x128xf32, #tpu.memory_space<hbm>> -> memref<64x128xf32, #tpu.memory_space<hbm>>
        %dma_start3A_231 = arith.constant 0 : i32
        %dma_start3A_232 = tpu.memref_slice %arg4[%add3A_228, %dma_start3A_231] : memref<819200x128xf32, #tpu.memory_space<hbm>> -> memref<64x128xf32, #tpu.memory_space<hbm>>
        tpu.enqueue_dma source(%arg10 : memref<64x128xf32, #tpu.memory_space<vmem>>) target(%dma_start3A_232 : memref<64x128xf32, #tpu.memory_space<hbm>>) target_semaphore(%arg26 : memref<!tpu.dma_semaphore, #tpu.memory_space<semaphore_mem>>)
        %add3A_233 = arith.constant 1 : i32
        %add3A_234 = arith.addi %mul3A_215, %add3A_233 : i32
        %dma_wait3A_235 = arith.constant 0 : i32
        %dma_wait3A_236 = tpu.memref_slice %arg5[%add3A_234, %dma_wait3A_235] : memref<400x64xi32, #tpu.memory_space<vmem>> -> memref<1x64xi32, #tpu.memory_space<vmem>>
        %dma_wait3A_237 = tpu.memref_squeeze %dma_wait3A_236 : memref<1x64xi32, #tpu.memory_space<vmem>> -> memref<64xi32, #tpu.memory_space<vmem>>
        %dma_wait3A_238 = arith.constant 0 : i32
        %dma_wait3A_239 = arith.constant 0 : i32
        %dma_wait3A_240 = tpu.memref_slice %arg2[%dma_wait3A_238, %dma_wait3A_239] : memref<100000x128xf32, #tpu.memory_space<hbm>> -> memref<100000x128xf32, #tpu.memory_space<hbm>>
        tpu.wait_indirect_dma semaphore(%arg19 : memref<!tpu.dma_semaphore, #tpu.memory_space<semaphore_mem>>) src(%dma_wait3A_240 : memref<100000x128xf32, #tpu.memory_space<hbm>>) dst(%arg11 : memref<64x128xf32, #tpu.memory_space<vmem>>)
        %add3A_241 = arith.constant 1 : i32
        %add3A_242 = arith.addi %mul3A_215, %add3A_241 : i32
        %mul3A_243 = arith.constant 64 : i32
        %mul3A_244 = arith.muli %add3A_242, %mul3A_243 : i32
        %add3A_245 = arith.addi %mul3A_2, %mul3A_244 : i32
        %dma_start3A_246 = arith.constant 0 : i32
        %dma_start3A_247 = tpu.memref_slice %arg4[%add3A_245, %dma_start3A_246] : memref<819200x128xf32, #tpu.memory_space<hbm>> -> memref<64x128xf32, #tpu.memory_space<hbm>>
        %dma_start3A_248 = arith.constant 0 : i32
        %dma_start3A_249 = tpu.memref_slice %arg4[%add3A_245, %dma_start3A_248] : memref<819200x128xf32, #tpu.memory_space<hbm>> -> memref<64x128xf32, #tpu.memory_space<hbm>>
        tpu.enqueue_dma source(%arg11 : memref<64x128xf32, #tpu.memory_space<vmem>>) target(%dma_start3A_249 : memref<64x128xf32, #tpu.memory_space<hbm>>) target_semaphore(%arg27 : memref<!tpu.dma_semaphore, #tpu.memory_space<semaphore_mem>>)
        %add3A_250 = arith.constant 2 : i32
        %add3A_251 = arith.addi %mul3A_215, %add3A_250 : i32
        %dma_wait3A_252 = arith.constant 0 : i32
        %dma_wait3A_253 = tpu.memref_slice %arg5[%add3A_251, %dma_wait3A_252] : memref<400x64xi32, #tpu.memory_space<vmem>> -> memref<1x64xi32, #tpu.memory_space<vmem>>
        %dma_wait3A_254 = tpu.memref_squeeze %dma_wait3A_253 : memref<1x64xi32, #tpu.memory_space<vmem>> -> memref<64xi32, #tpu.memory_space<vmem>>
        %dma_wait3A_255 = arith.constant 0 : i32
        %dma_wait3A_256 = arith.constant 0 : i32
        %dma_wait3A_257 = tpu.memref_slice %arg2[%dma_wait3A_255, %dma_wait3A_256] : memref<100000x128xf32, #tpu.memory_space<hbm>> -> memref<100000x128xf32, #tpu.memory_space<hbm>>
        tpu.wait_indirect_dma semaphore(%arg20 : memref<!tpu.dma_semaphore, #tpu.memory_space<semaphore_mem>>) src(%dma_wait3A_257 : memref<100000x128xf32, #tpu.memory_space<hbm>>) dst(%arg12 : memref<64x128xf32, #tpu.memory_space<vmem>>)
        %add3A_258 = arith.constant 2 : i32
        %add3A_259 = arith.addi %mul3A_215, %add3A_258 : i32
        %mul3A_260 = arith.constant 64 : i32
        %mul3A_261 = arith.muli %add3A_259, %mul3A_260 : i32
        %add3A_262 = arith.addi %mul3A_2, %mul3A_261 : i32
        %dma_start3A_263 = arith.constant 0 : i32
        %dma_start3A_264 = tpu.memref_slice %arg4[%add3A_262, %dma_start3A_263] : memref<819200x128xf32, #tpu.memory_space<hbm>> -> memref<64x128xf32, #tpu.memory_space<hbm>>
        %dma_start3A_265 = arith.constant 0 : i32
        %dma_start3A_266 = tpu.memref_slice %arg4[%add3A_262, %dma_start3A_265] : memref<819200x128xf32, #tpu.memory_space<hbm>> -> memref<64x128xf32, #tpu.memory_space<hbm>>
        tpu.enqueue_dma source(%arg12 : memref<64x128xf32, #tpu.memory_space<vmem>>) target(%dma_start3A_266 : memref<64x128xf32, #tpu.memory_space<hbm>>) target_semaphore(%arg28 : memref<!tpu.dma_semaphore, #tpu.memory_space<semaphore_mem>>)
        %add3A_267 = arith.constant 3 : i32
        %add3A_268 = arith.addi %mul3A_215, %add3A_267 : i32
        %dma_wait3A_269 = arith.constant 0 : i32
        %dma_wait3A_270 = tpu.memref_slice %arg5[%add3A_268, %dma_wait3A_269] : memref<400x64xi32, #tpu.memory_space<vmem>> -> memref<1x64xi32, #tpu.memory_space<vmem>>
        %dma_wait3A_271 = tpu.memref_squeeze %dma_wait3A_270 : memref<1x64xi32, #tpu.memory_space<vmem>> -> memref<64xi32, #tpu.memory_space<vmem>>
        %dma_wait3A_272 = arith.constant 0 : i32
        %dma_wait3A_273 = arith.constant 0 : i32
        %dma_wait3A_274 = tpu.memref_slice %arg2[%dma_wait3A_272, %dma_wait3A_273] : memref<100000x128xf32, #tpu.memory_space<hbm>> -> memref<100000x128xf32, #tpu.memory_space<hbm>>
        tpu.wait_indirect_dma semaphore(%arg21 : memref<!tpu.dma_semaphore, #tpu.memory_space<semaphore_mem>>) src(%dma_wait3A_274 : memref<100000x128xf32, #tpu.memory_space<hbm>>) dst(%arg13 : memref<64x128xf32, #tpu.memory_space<vmem>>)
        %add3A_275 = arith.constant 3 : i32
        %add3A_276 = arith.addi %mul3A_215, %add3A_275 : i32
        %mul3A_277 = arith.constant 64 : i32
        %mul3A_278 = arith.muli %add3A_276, %mul3A_277 : i32
        %add3A_279 = arith.addi %mul3A_2, %mul3A_278 : i32
        %dma_start3A_280 = arith.constant 0 : i32
        %dma_start3A_281 = tpu.memref_slice %arg4[%add3A_279, %dma_start3A_280] : memref<819200x128xf32, #tpu.memory_space<hbm>> -> memref<64x128xf32, #tpu.memory_space<hbm>>
        %dma_start3A_282 = arith.constant 0 : i32
        %dma_start3A_283 = tpu.memref_slice %arg4[%add3A_279, %dma_start3A_282] : memref<819200x128xf32, #tpu.memory_space<hbm>> -> memref<64x128xf32, #tpu.memory_space<hbm>>
        tpu.enqueue_dma source(%arg13 : memref<64x128xf32, #tpu.memory_space<vmem>>) target(%dma_start3A_283 : memref<64x128xf32, #tpu.memory_space<hbm>>) target_semaphore(%arg29 : memref<!tpu.dma_semaphore, #tpu.memory_space<semaphore_mem>>)
      } else {
      }
    }
    %scan3A_35 = arith.constant 50 : i32
    %dma_wait3A = arith.constant 0 : i32
    %dma_wait3A_36 = tpu.memref_slice %arg4[%mul3A_2, %dma_wait3A] : memref<819200x128xf32, #tpu.memory_space<hbm>> -> memref<64x128xf32, #tpu.memory_space<hbm>>
    %dma_wait3A_37 = arith.constant 0 : i32
    %dma_wait3A_38 = tpu.memref_slice %arg4[%mul3A_2, %dma_wait3A_37] : memref<819200x128xf32, #tpu.memory_space<hbm>> -> memref<64x128xf32, #tpu.memory_space<hbm>>
    tpu.wait_dma2 semaphore(%arg22 : memref<!tpu.dma_semaphore, #tpu.memory_space<semaphore_mem>>) src(%arg6 : memref<64x128xf32, #tpu.memory_space<vmem>>) dst(%dma_wait3A_38 : memref<64x128xf32, #tpu.memory_space<hbm>>)
    %dma_wait3A_39 = arith.constant 0 : i32
    %dma_wait3A_40 = tpu.memref_slice %arg4[%mul3A_2, %dma_wait3A_39] : memref<819200x128xf32, #tpu.memory_space<hbm>> -> memref<64x128xf32, #tpu.memory_space<hbm>>
    %dma_wait3A_41 = arith.constant 0 : i32
    %dma_wait3A_42 = tpu.memref_slice %arg4[%mul3A_2, %dma_wait3A_41] : memref<819200x128xf32, #tpu.memory_space<hbm>> -> memref<64x128xf32, #tpu.memory_space<hbm>>
    tpu.wait_dma2 semaphore(%arg23 : memref<!tpu.dma_semaphore, #tpu.memory_space<semaphore_mem>>) src(%arg7 : memref<64x128xf32, #tpu.memory_space<vmem>>) dst(%dma_wait3A_42 : memref<64x128xf32, #tpu.memory_space<hbm>>)
    %dma_wait3A_43 = arith.constant 0 : i32
    %dma_wait3A_44 = tpu.memref_slice %arg4[%mul3A_2, %dma_wait3A_43] : memref<819200x128xf32, #tpu.memory_space<hbm>> -> memref<64x128xf32, #tpu.memory_space<hbm>>
    %dma_wait3A_45 = arith.constant 0 : i32
    %dma_wait3A_46 = tpu.memref_slice %arg4[%mul3A_2, %dma_wait3A_45] : memref<819200x128xf32, #tpu.memory_space<hbm>> -> memref<64x128xf32, #tpu.memory_space<hbm>>
    tpu.wait_dma2 semaphore(%arg24 : memref<!tpu.dma_semaphore, #tpu.memory_space<semaphore_mem>>) src(%arg8 : memref<64x128xf32, #tpu.memory_space<vmem>>) dst(%dma_wait3A_46 : memref<64x128xf32, #tpu.memory_space<hbm>>)
    %dma_wait3A_47 = arith.constant 0 : i32
    %dma_wait3A_48 = tpu.memref_slice %arg4[%mul3A_2, %dma_wait3A_47] : memref<819200x128xf32, #tpu.memory_space<hbm>> -> memref<64x128xf32, #tpu.memory_space<hbm>>
    %dma_wait3A_49 = arith.constant 0 : i32
    %dma_wait3A_50 = tpu.memref_slice %arg4[%mul3A_2, %dma_wait3A_49] : memref<819200x128xf32, #tpu.memory_space<hbm>> -> memref<64x128xf32, #tpu.memory_space<hbm>>
    tpu.wait_dma2 semaphore(%arg25 : memref<!tpu.dma_semaphore, #tpu.memory_space<semaphore_mem>>) src(%arg9 : memref<64x128xf32, #tpu.memory_space<vmem>>) dst(%dma_wait3A_50 : memref<64x128xf32, #tpu.memory_space<hbm>>)
    %dma_wait3A_51 = arith.constant 0 : i32
    %dma_wait3A_52 = tpu.memref_slice %arg4[%mul3A_2, %dma_wait3A_51] : memref<819200x128xf32, #tpu.memory_space<hbm>> -> memref<64x128xf32, #tpu.memory_space<hbm>>
    %dma_wait3A_53 = arith.constant 0 : i32
    %dma_wait3A_54 = tpu.memref_slice %arg4[%mul3A_2, %dma_wait3A_53] : memref<819200x128xf32, #tpu.memory_space<hbm>> -> memref<64x128xf32, #tpu.memory_space<hbm>>
    tpu.wait_dma2 semaphore(%arg26 : memref<!tpu.dma_semaphore, #tpu.memory_space<semaphore_mem>>) src(%arg10 : memref<64x128xf32, #tpu.memory_space<vmem>>) dst(%dma_wait3A_54 : memref<64x128xf32, #tpu.memory_space<hbm>>)
    %dma_wait3A_55 = arith.constant 0 : i32
    %dma_wait3A_56 = tpu.memref_slice %arg4[%mul3A_2, %dma_wait3A_55] : memref<819200x128xf32, #tpu.memory_space<hbm>> -> memref<64x128xf32, #tpu.memory_space<hbm>>
    %dma_wait3A_57 = arith.constant 0 : i32
    %dma_wait3A_58 = tpu.memref_slice %arg4[%mul3A_2, %dma_wait3A_57] : memref<819200x128xf32, #tpu.memory_space<hbm>> -> memref<64x128xf32, #tpu.memory_space<hbm>>
    tpu.wait_dma2 semaphore(%arg27 : memref<!tpu.dma_semaphore, #tpu.memory_space<semaphore_mem>>) src(%arg11 : memref<64x128xf32, #tpu.memory_space<vmem>>) dst(%dma_wait3A_58 : memref<64x128xf32, #tpu.memory_space<hbm>>)
    %dma_wait3A_59 = arith.constant 0 : i32
    %dma_wait3A_60 = tpu.memref_slice %arg4[%mul3A_2, %dma_wait3A_59] : memref<819200x128xf32, #tpu.memory_space<hbm>> -> memref<64x128xf32, #tpu.memory_space<hbm>>
    %dma_wait3A_61 = arith.constant 0 : i32
    %dma_wait3A_62 = tpu.memref_slice %arg4[%mul3A_2, %dma_wait3A_61] : memref<819200x128xf32, #tpu.memory_space<hbm>> -> memref<64x128xf32, #tpu.memory_space<hbm>>
    tpu.wait_dma2 semaphore(%arg28 : memref<!tpu.dma_semaphore, #tpu.memory_space<semaphore_mem>>) src(%arg12 : memref<64x128xf32, #tpu.memory_space<vmem>>) dst(%dma_wait3A_62 : memref<64x128xf32, #tpu.memory_space<hbm>>)
    %dma_wait3A_63 = arith.constant 0 : i32
    %dma_wait3A_64 = tpu.memref_slice %arg4[%mul3A_2, %dma_wait3A_63] : memref<819200x128xf32, #tpu.memory_space<hbm>> -> memref<64x128xf32, #tpu.memory_space<hbm>>
    %dma_wait3A_65 = arith.constant 0 : i32
    %dma_wait3A_66 = tpu.memref_slice %arg4[%mul3A_2, %dma_wait3A_65] : memref<819200x128xf32, #tpu.memory_space<hbm>> -> memref<64x128xf32, #tpu.memory_space<hbm>>
    tpu.wait_dma2 semaphore(%arg29 : memref<!tpu.dma_semaphore, #tpu.memory_space<semaphore_mem>>) src(%arg13 : memref<64x128xf32, #tpu.memory_space<vmem>>) dst(%dma_wait3A_66 : memref<64x128xf32, #tpu.memory_space<hbm>>)
    return
  }
}

module attributes {stable_mosaic.version = 14 : i64} {
  func.func @_add_body(%arg0: i32, %arg1: memref<4000x128xf32, #tpu.memory_space<vmem>>, %arg2: memref<4000x128xf32, #tpu.memory_space<vmem>>, %arg3: memref<4000x128xf32, #tpu.memory_space<vmem>>) attributes {dimension_semantics = [#tpu.dimension_semantics<arbitrary>], iteration_bounds = array<i64: 25>, scalar_prefetch = 0 : i64, scratch_operands = 0 : i64, tpu.core_type = #tpu.core_type<tc>, window_params = [{transform_indices = @transform_0, window_bounds = array<i64: 4000, 128>}, {transform_indices = @transform_1, window_bounds = array<i64: 4000, 128>}, {transform_indices = @transform_2, window_bounds = array<i64: 4000, 128>}]} {
    %get3A = arith.constant 0 : index
    %get3A_0 = arith.constant 0 : index
    %get3A_1 = vector.load %arg1[%get3A, %get3A_0] : memref<4000x128xf32, #tpu.memory_space<vmem>>, vector<4000x128xf32>
    %get3A_2 = arith.constant 0 : index
    %get3A_3 = arith.constant 0 : index
    %get3A_4 = vector.load %arg2[%get3A_2, %get3A_3] : memref<4000x128xf32, #tpu.memory_space<vmem>>, vector<4000x128xf32>
    %add3A = arith.addf %get3A_1, %get3A_4 : vector<4000x128xf32>
    %swap3A = arith.constant 0 : index
    %swap3A_5 = arith.constant 0 : index
    %swap3A_6 = vector.load %arg3[%swap3A, %swap3A_5] : memref<4000x128xf32, #tpu.memory_space<vmem>>, vector<4000x128xf32>
    tpu.vector_store %arg3[%swap3A, %swap3A_5], %add3A {strides = array<i32>} : memref<4000x128xf32, #tpu.memory_space<vmem>>, vector<4000x128xf32>,
    return
  }
  func.func @transform_0(%arg0: i32) -> (i32, i32) {
    %c0_i32 = arith.constant 0 : i32
    %c0_i32_0 = arith.constant 0 : i32
    return %arg0, %c0_i32 : i32, i32
  }
  func.func @transform_1(%arg0: i32) -> (i32, i32) {
    %c0_i32 = arith.constant 0 : i32
    %c0_i32_0 = arith.constant 0 : i32
    return %arg0, %c0_i32 : i32, i32
  }
  func.func @transform_2(%arg0: i32) -> (i32, i32) {
    %c0_i32 = arith.constant 0 : i32
    %c0_i32_0 = arith.constant 0 : i32
    return %arg0, %c0_i32 : i32, i32
  }
}

</mosaic_0001>

<sc_bundles>
// kernel: kernel.4.cloned.1.call-start
scs
__scs_entry_jumppad:
0x0: {  	(pc) =	sbr.rel $0x88, $3  }
0x1: {  	(tag) =	ssettag $0x0;
	lr =	simm.s32 $0x1  }
0x2: {  	[smem:$0x3F9E] =	sst lr;
	_ =	strace $0xD0000000  }
0x3: {  	_ = 	snop  }
0x4: {  	_ = 	snop  }
0x5: {  	_ = 	snop  }
0x6: {  	_ = 	snop  }
0x7: {  	_ = 	snop  }
__scs_overlays_trampoline_lowered:
0x8: {  	[smem:$0x3FAD] =	sst s0  }
0x9: {  	[smem:$0x3FAE] =	sst s1  }
0xa: {  	[smem:$0x3FAF] =	sst s2  }
0xb: {  	[smem:$0x3FB0] =	sst s3  }
0xc: {  	[smem:$0x3FB1] =	sst s4  }
0xd: {  	[smem:$0x3FB2] =	sst s5  }
0xe: {  	[smem:$0x3FB3] =	sst s6  }
0xf: {  	[smem:$0x3FB4] =	sst s7  }
0x10: {  	[smem:$0x3FB5] =	sst s8  }
0x11: {  	[smem:$0x3FB6] =	sst s9;
	s0 =	simm.s32 @!p0 $0x0  }
0x12: {  	s1 =	sld [smem:$0x3F9C];
	s0 =	simm.s32 @p0 $0x1  }
0x13: {  	[smem:$0x3FB7] =	sst s0;
	s0 =	simm.s32 @!p1 $0x0  }
0x14: {  	s2 =	sld [smem:$0x3F9B];
	s0 =	simm.s32 @p1 $0x1  }
0x15: {  	[smem:$0x3FB8] =	sst s0;
	s0 =	simm.s32 @!p2 $0x0  }
0x16: {  	s3 =	sld [smem:$0x3FDB];
	s0 =	simm.s32 @p2 $0x1  }
0x17: {  	s4 =	simm.s32 $0x1BF5;
	[smem:$0x3FBA] =	sst s0  }
0x18: {  	s0 =	sld [smem:$0x3F9D];
	_ =	swait.ge [sflag:s4], $0x0  }
0x19: {  	s7 =	sld [smem:$0x3F9E]  }
0x1a: {  	s8 =	sadd.s32 $0xFFFFE003, lr  }
0x1b: {  	s9 =	sadd.s32 $0xFFFFFEF7, lr;
	s5 =	simm.s32 $0xFFFFFFFF;
	p2 =	slt.u32 s8, $0xFFFFF086  }
0x1c: {  	p1 =	slt.u32 s9, $0xF7A;
	s5 =	simm.s32 @!p2 $0x0  }
0x1d: {  	s5 =	simm.s32 @p1 $0x1;
	p0 =	seq.s32 s7, s2  }
0x1e: {  	s7 =	smul.u32 @!p0 $0xF7A, s2;
	p2 =	seq.s32 @!p0 s5, $0x0  }
0x1f: {  	s9 =	smul.u32 $0xF7A, s1;
	s8 =	simm.s32 @!p0 $0x1BF5;
	p2 =	por !p2, p0  }
0x20: {  	[sflag:s8] =	ssyncset.s32 @!p0 $0xFFFFF086;
	s6 =	sadd.s32 @!p0 s3, s7;
	s7 =	simm.s32 @!p0 $0x108  }
0x21: {  	s3 =	sadd.s32 s3, s9;
	s6 =	sadd.s32 @!p0 $0x88, s6;
	s7 =	simm.s32 @p2 $0x1082  }
0x22: {  	[simem:s7], [sflag:s8] =	dma.local @!p0 [hbm:s6], $0xF7A  }
0x23: {  	s9 =	sor.u32 $0xD0000000, s2;
	s6 =	simm.s32 $0x108;
	_ =	swait.ge @!p0 [sflag:s8], $0x0  }
0x24: {  	s3 =	sadd.s32 $0x88, s3;
	s6 =	simm.s32 @!p1 $0x1082;
	[sflag:s4] =	ssyncset.s32 $0xFFFFF086  }
0x25: {  	[simem:s6], [sflag:s4] =	dma.local [hbm:s3], $0xF7A  }
0x26: {  	[smem:$0x3F9E] =	sst s1;
	(tag) =	ssettag s2;
	_ =	strace s9  }
0x27: {  	s1 =	sld [smem:$0x3FAE]  }
0x28: {  	s2 =	sld [smem:$0x3FAF]  }
0x29: {  	s4 =	sld [smem:$0x3FB1]  }
0x2a: {  	p0 =	seq.s32 s5, $0x0;
	s5 =	sld [smem:$0x3FB2]  }
0x2b: {  	s6 =	sld [smem:$0x3FB3]  }
0x2c: {  	s7 =	sld [smem:$0x3FB4]  }
0x2d: {  	s3 =	simm.s32 $0x108;
	s8 =	sld [smem:$0x3FB5]  }
0x2e: {  	s3 =	simm.s32 @!p0 $0x1082;
	s9 =	sld [smem:$0x3FB6]  }
0x2f: {  	lr =	sadd.s32 s0, s3;
	s0 =	sld [smem:$0x3FAD]  }
0x30: {  	s3 =	sld [smem:$0x3FB0]  }
0x31: {  	[smem:$0x3FB9] =	sst s10  }
0x32: {  	s10 =	sld [smem:$0x3FB7];
	_ =	sdelay $0x3  }
0x33: {  	p0 =	seq.s32 s10, $0x1;
	s10 =	sld [smem:$0x3FB9];
	_ =	sdelay $0x3  }
0x34: {  	[smem:$0x3FB9] =	sst s10  }
0x35: {  	s10 =	sld [smem:$0x3FB8];
	_ =	sdelay $0x3  }
0x36: {  	p1 =	seq.s32 s10, $0x1;
	s10 =	sld [smem:$0x3FB9];
	_ =	sdelay $0x3  }
0x37: {  	[smem:$0x3FB9] =	sst s10  }
0x38: {  	s10 =	sld [smem:$0x3FBA]  }
0x39: {  	_ = 	snop;
	(pc) =	sbr.ind lr, $3  }
0x3a: {  	_ = 	snop  }
0x3b: {  	_ = 	snop  }
0x3c: {  	p2 =	seq.s32 s10, $0x1;
	s10 =	sld [smem:$0x3FB9]  }
0x3d: {  	_ =	shalt  }
0x3e: {  	_ =	shalt  }
0x3f: {  	_ =	shalt  }
0x40: {  	_ =	shalt  }
0x41: {  	_ =	shalt  }
0x42: {  	_ =	shalt  }
0x43: {  	_ =	shalt  }
0x44: {  	_ =	shalt  }
0x45: {  	_ =	shalt  }
0x46: {  	_ =	shalt  }
0x47: {  	_ =	shalt  }
0x48: {  	_ =	shalt  }
0x49: {  	_ =	shalt  }
0x4a: {  	_ =	shalt  }
0x4b: {  	_ =	shalt  }
0x4c: {  	_ =	shalt  }
0x4d: {  	_ =	shalt  }
0x4e: {  	_ =	shalt  }
0x4f: {  	_ =	shalt  }
0x50: {  	_ =	shalt  }
0x51: {  	_ =	shalt  }
0x52: {  	_ =	shalt  }
0x53: {  	_ =	shalt  }
0x54: {  	_ =	shalt  }
0x55: {  	_ =	shalt  }
0x56: {  	_ =	shalt  }
0x57: {  	_ =	shalt  }
0x58: {  	_ =	shalt  }
0x59: {  	_ =	shalt  }
0x5a: {  	_ =	shalt  }
0x5b: {  	_ =	shalt  }
0x5c: {  	_ =	shalt  }
0x5d: {  	_ =	shalt  }
0x5e: {  	_ =	shalt  }
0x5f: {  	_ =	shalt  }
0x60: {  	_ =	shalt  }
0x61: {  	_ =	shalt  }
0x62: {  	_ =	shalt  }
0x63: {  	_ =	shalt  }
0x64: {  	_ =	shalt  }
0x65: {  	_ =	shalt  }
0x66: {  	_ =	shalt  }
0x67: {  	_ =	shalt  }
0x68: {  	_ =	shalt  }
0x69: {  	_ =	shalt  }
0x6a: {  	_ =	shalt  }
0x6b: {  	_ =	shalt  }
0x6c: {  	_ =	shalt  }
0x6d: {  	_ =	shalt  }
0x6e: {  	_ =	shalt  }
0x6f: {  	_ =	shalt  }
0x70: {  	_ =	shalt  }
0x71: {  	_ =	shalt  }
0x72: {  	_ =	shalt  }
0x73: {  	_ =	shalt  }
0x74: {  	_ =	shalt  }
0x75: {  	_ =	shalt  }
0x76: {  	_ =	shalt  }
0x77: {  	_ =	shalt  }
0x78: {  	_ =	shalt  }
0x79: {  	_ =	shalt  }
0x7a: {  	_ =	shalt  }
0x7b: {  	_ =	shalt  }
0x7c: {  	_ =	shalt  }
0x7d: {  	_ =	shalt  }
0x7e: {  	_ =	shalt  }
0x7f: {  	_ =	shalt  }
0x80: {  	_ =	shalt  }
0x81: {  	_ =	shalt  }
0x82: {  	_ =	shalt  }
0x83: {  	_ =	shalt  }
0x84: {  	_ =	shalt  }
0x85: {  	_ =	shalt  }
0x86: {  	_ =	shalt  }
0x87: {  	_ =	shalt  }
.Lfunc_end0:
.L_simem_size_0:
called_computation_lowered:
.L_overlay_start_0:
0x88: {  	s2 =	sld [smem:$0x3FD9]  }
0x89: {  	s3 =	sld [smem:$0x3FFE];
	_ =	sdelay $0x1  }
0x8a: {  	s1 =	srdreg.scid  }
0x8b: {  	s0 =	sand.u32 $0x1, s1  }
0x8c: {  	s17 =	sshll.u32 s0, $0xA;
	s2 =	sadd.s32 s3, s2  }
0x8d: {  	s2 =	sadd.s32 s2, s17  }
0x8e: {  	[smem:$0x3FC5] =	sst s2  }
0x8f: {  	_ = 	snop  }
0x90: {  	s2 =	sld [smem:$0x3FD0];
	(tm) =	ssettm $0x1  }
0x91: {  	s18 =	sld [smem:$0x3FFB];
	_ =	sdelay $0x3  }
0x92: {  	_ =	strace s18  }
0x93: {  	s3 =	sld [smem:$0x3FFC];
	_ =	sdelay $0x3  }
0x94: {  	_ =	strace s3  }
0x95: {  	s3 =	sld [smem:$0x3FFD];
	_ =	sdelay $0x3  }
0x96: {  	_ =	strace s3  }
0x97: {  	_ =	strace $0x8FFFFFFF  }
0x98: {  	s19 =	sld [smem:$0x3FDB];
	_ =	sdelay $0x1  }
0x99: {  	s4 =	simm.s32 $_scs_section_size  }
0x9a: {  	s5 =	simm.s32 $_size__tile_overlayer_lowered;
	s6 =	simm.s32 $_tile_overlayer_lowered  }
0x9b: {  	s22 =	simm.s32 $0x1BFF;
	s21 =	sshll.u32 s6, $0x1;
	s3 =	sadd.s32 s4, s19  }
0x9c: {  	s7 =	simm.s32 $0x0;
	s20 =	sshll.u32 s5, $0x1;
	s5 =	sadd.s32 s21, s3  }
0x9d: {  	[timem:s7], [sflag:s22] =	dma.local [hbm:s5], s20  }
0x9e: {  	_ =	swait.ge [sflag:s22], s20  }
0x9f: {  	s4 =	ssub.s32 $0x0, s20;
	[sflag:s22] =	ssyncset.done $0x0  }
0xa0: {  	[sflag:s22] =	ssyncadd.s32 s4;
	_ =	sdelay $0x1  }
0xa1: {  	s23 =	simm.s32 $0x1B8B  }
0xa2: {  	_ =	swait.ge [sflag:s23], $0x1  }
0xa3: {  	[sflag:s23] =	ssyncset.done $0x0  }
0xa4: {  	s25 =	simm.s32 $0x1B8E;
	s24 =	sld [smem:$0x3FFE];
	[sflag:s23] =	ssyncadd.s32 $0xFFFFFFFF  }
0xa5: {  	s26 =	simm.s32 $execute0_lowered;
	[smem:$0x3FD2] =	sst s25  }
0xa6: {  	s5 =	sshll.u32 s26, $0x1;
	_ =	strace $0x80000046;
	[dreg:$0x1] =	wrdreg $0xFFFFFFFF  }
0xa7: {  	s28 =	simm.s32 $_size_execute0_lowered;
	s3 =	sadd.s32 s3, s5;
	[dreg:$0x0] =	wrdreg $0x0  }
0xa8: {  	s5 =	sshll.u32 s28, $0x1;
	[dreg:$0x2] =	wrdreg s3  }
0xa9: {  	[dreg:$0x3] =	wrdreg s5  }
0xaa: {  	[dreg:$0x4] =	wrdreg $0xC0  }
0xab: {  	_ =	task [dreg:s7], $0x5FFFF  }
0xac: {  	[dreg:$0x1] =	wrdreg $0xFFFFFFFF  }
0xad: {  	[dreg:$0x0] =	wrdreg $0x60  }
0xae: {  	[dreg:$0x2] =	wrdreg s24  }
0xaf: {  	[dreg:$0x3] =	wrdreg s2  }
0xb0: {  	[dreg:$0x4] =	wrdreg $0x9  }
0xb1: {  	_ =	task.clear_ibuf [dreg:s7], $0x5FFFF;
	_ =	strace $0x90000046  }
0xb2: {  	s29 =	simm.s32 $0x9;
	_ =	strace $0x80000048  }
0xb3: {  	_ =	swait.ge [sflag:s29], $0x1  }
0xb4: {  	[sflag:s29] =	ssyncadd.s32 $0xFFFFFFFF  }
0xb5: {  	_ =	strace $0x90000048  }
0xb6: {  	_ =	sfence  }
0xb7: {  	s30 =	sld [smem:$0x0];
	_ =	sdelay $0x2  }
0xb8: {  	s31 =	sshll.u32 s1, $0xD;
	s1 =	sshrl.u32 s1, $0x2  }
0xb9: {  	s3 =	sand.u32 $0x4000, s31;
	s1 =	sadd.s32 s1, s30  }
0xba: {  	s0 =	sor.u32 s3, s0;
	s1 =	sshll.u32 s1, $0x11  }
0xbb: {  	s0 =	sor.u32 s1, s0  }
0xbc: {  	s0 =	sadd.s32 $0x8F2B, s0  }
0xbd: {  	[sflag:s0] =	ssyncadd.remote.s32 $0x1  }
0xbe: {  	_ =	sfence.sel $0xFFFF  }
0xbf: {  	[dreg:$0x0] =	wrdreg $0xFFFFFFFF;
	(pc) =	sbr.abs _section_cstart, $3  }
0xc0: {  	[dreg:$0x1] =	wrdreg $0xFFFFFFFF  }
0xc1: {  	_ =	task.clear_ibuf [dreg:s7], $0x2FFFF;
	_ =	strace $0x9FFFFFFF  }
0xc2: {  	(tm) =	ssettm $0x7FFFFFFF  }
0xc3: {  	_ =	shalt  }
tec
execute0_lowered:
.L_overlay_start_1:
0x0: {  	(tag) =	ssettag $0x1  }
0x1: {  	s0 =	rddreg [dreg:$0x0]  }
0x2: {  	s2 =	rddreg [dreg:$0x1];
	s1 =	srdreg.scid  }
0x3: {  	s9 =	stileid.u32;
	s3 =	simm.s32 $0x0;
	s14 =	simm.s32 $0x40  }
0x4: {  	s15 =	simm.s32 $0xC800;
	s28 =	simm.s32 $0x18800;
	s18 =	smul.u32 $0x640000, s9  }
0x5: {  	s29 =	simm.s32 $0x4;
	s1 =	sand.u32 $0x1, s1;
	s20 =	smul.u32 $0xC8000, s9  }
0x6: {  	s30 =	simm.s32 $0x1A800;
	s4 =	sshll.u32 s9, $0x1;
	s22 =	smul.u32 $0x64000, s1  }
0x7: {  	s5 =	sor.u32 s1, s4;
	s7 =	ssub.s32 $0x2, s1;
	s1 =	smul.u32 $0x320000, s1  }
0x8: {  	s31 =	simm.s32 $0x5;
	[smem:$0x7FF] =	sst s3;
	s6 =	smul.u32 $0x1900, s5  }
0x9: {  	s11 =	simm.s32 $0x0;
	_ =	strace $0x80000047;
	s8 =	smul.u32 $0x320000, s5  }
0xa: {  	s4 =	sadd.s32 $0x32400, s0;
	s16 =	sshrl.u32 s7, $0x1;
	s5 =	smul.u32 $0x64000, s5  }
0xb: {  	s1 =	sadd.s32 s1, s18;
	s18 =	simm.s32 $0x7;
	s0 =	sadd.s32 s6, s0  }
0xc: {  	s6 =	ssub.s32 s7, s16;
	s17 =	sshrl.u32 s8, $0x3;
	s21 =	sadd.s32 s5, s2  }
0xd: {  	s7 =	sadd.s32 s20, s2;
	[dreg:$0x9] =	wrdreg s1;
	s1 =	simm.s32 $0x6  }
0xe: {  	s16 =	simm.s32 $0xA;
	s20 =	simm.s32 $0xB;
	s5 =	simm.s32 $0x8  }
0xf: {  	s0 =	sadd.s32 $0x400, s0;
	s19 =	sadd.s32 s2, s17;
	s23 =	sadd.s32 $0x63400, s21  }
0x10: {  	s24 =	sadd.s32 $0x63800, s21;
	s25 =	sadd.s32 s22, s7;
	[dreg:$0x3] =	wrdreg s0  }
0x11: {  	s26 =	smax.u32 s6, $0x1;
	s17 =	simm.s32 $0xE800;
	[dreg:$0x5] =	wrdreg s23  }
0x12: {  	s22 =	simm.s32 $0x1;
	s6 =	simm.s32 $0xC;
	[dreg:$0x6] =	wrdreg s24  }
0x13: {  	s7 =	simm.s32 $0x10;
	s0 =	sadd.s32 $0x63000, s19;
	[dreg:$0x8] =	wrdreg s26  }
0x14: {  	s19 =	simm.s32 $0x10800;
	s23 =	simm.s32 $0x14800;
	s24 =	simm.s32 $0x2  }
0x15: {  	s26 =	simm.s32 $0x3;
	[dreg:$0x4] =	wrdreg s0;
	s0 =	sadd.s32 $0x63C00, s21  }
0x16: {  	s21 =	simm.s32 $0x12800;
	[dreg:$0x7] =	wrdreg s0;
	s0 =	sadd.s32 $0x1C00, s25  }
0x17: {  	s25 =	simm.s32 $0x16800;
	[dreg:$0xa] =	wrdreg s0;
	s0 =	simm.s32 $0x9  }
.LBB2_1:
0x18: {  	s8 =	rddreg [dreg:$0x3];
	s9 =	simm.s32 $0x11  }
0x19: {  	[tilespmem:s3], [sflag:$0x11] =	stream.linear.gather [hbm4b:s8+s3], $0xC800, $0x38;
	[tilespmem:$0x1C800] =	vst v63  }
0x1a: {  	_ =	swait.ge [sflag:s9], $0xC800  }
0x1b: {  	[sflag:s9] =	ssyncset.done $0x0  }
0x1c: {  	[sflag:s9] =	ssyncadd.s32 $0xFFFF3800  }
0x1d: {  	[tilespmem:s15], [sflag:$0x1] =	stream.indirect.gather [hbm4b:s4+s14], $0x80, s3, s14, $0xb8;
	[tilespmem:$0x1C800] =	vst v63  }
0x1e: {  	s10 =	simm.s32 $0x80  }
0x1f: {  	[tilespmem:s17], [sflag:$0x2] =	stream.indirect.gather [hbm4b:s4+s14], $0x80, s10, s14, $0xb8;
	[tilespmem:$0x1C800] =	vst v63  }
.Ltmp0:
0x20: {  	s12 =	simm.s32 $0x100;
	(pc) =	sbr.rel .LBB2_2-.Ltmp0, $4  }
0x21: {  	[tilespmem:s19], [sflag:$0x3] =	stream.indirect.gather [hbm4b:s4+s14], $0x80, s12, s14, $0xb8;
	[tilespmem:$0x1C800] =	vst v63  }
0x22: {  	s13 =	simm.s32 $0x180;
	s8 =	rddreg [dreg:$0xa]  }
0x23: {  	[tilespmem:s21], [sflag:$0x4] =	stream.indirect.gather [hbm4b:s4+s14], $0x80, s13, s14, $0xb8;
	[tilespmem:$0x1C800] =	vst v63  }
0x24: {  	s9 =	rddreg [dreg:$0x9];
	s12 =	simm.s32 $0x31;
	s13 =	simm.s32 $0x300  }
.LBB2_3:
0x25: {  	[tilespmem:s30], [sflag:$0x8] =	stream.indirect.gather [hbm4b:s4+s14], $0x80, s10, s14, $0xb8;
	[tilespmem:$0x1C800] =	vst v63  }
.LBB2_5:
0x26: {  	_ =	swait.ge [sflag:s31], $0x2000;
	s10 =	sadd.s32 $0x8000, s9  }
0x27: {  	[sflag:s31] =	ssyncset.done $0x0;
	s10 =	sshrl.u32 s10, $0x3  }
0x28: {  	[sflag:s31] =	ssyncadd.s32 $0xFFFFE000;
	s10 =	sadd.s32 s2, s10  }
0x29: {  	[hbm4b:s10+s3] =	stream.linear.scatter [tilespmem:s23], [sflag:$0xD], $0x2000, $0x38;
	[tilespmem:$0x1C800] =	vst v63  }
0x2a: {  	_ =	swait.ge [sflag:s0], $0x2000  }
0x2b: {  	[sflag:s0] =	ssyncset.done $0x0  }
0x2c: {  	s10 =	sadd.s32 $0x100, s13;
	[sflag:s0] =	ssyncadd.s32 $0xFFFFE000  }
0x2d: {  	[tilespmem:s15], [sflag:$0x1] =	stream.indirect.gather [hbm4b:s4+s14], $0x80, s10, s14, $0xb8;
	[tilespmem:$0x1C800] =	vst v63  }
0x2e: {  	_ =	swait.ge [sflag:s1], $0x2000  }
0x2f: {  	[sflag:s1] =	ssyncset.done $0x0  }
0x30: {  	s10 =	sadd.s32 $0xFFFFF800, s8;
	[sflag:s1] =	ssyncadd.s32 $0xFFFFE000  }
0x31: {  	[hbm4b:s10+s3] =	stream.linear.scatter [tilespmem:s25], [sflag:$0xE], $0x2000, $0x38;
	[tilespmem:$0x1C800] =	vst v63  }
0x32: {  	_ =	swait.ge [sflag:s16], $0x2000  }
0x33: {  	[sflag:s16] =	ssyncset.done $0x0  }
0x34: {  	s10 =	sadd.s32 $0x180, s13;
	[sflag:s16] =	ssyncadd.s32 $0xFFFFE000  }
0x35: {  	[tilespmem:s17], [sflag:$0x2] =	stream.indirect.gather [hbm4b:s4+s14], $0x80, s10, s14, $0xb8;
	[tilespmem:$0x1C800] =	vst v63  }
0x36: {  	_ =	swait.ge [sflag:s18], $0x2000  }
0x37: {  	[sflag:s18] =	ssyncset.done $0x0  }
0x38: {  	s10 =	sadd.s32 $0xFFFFFC00, s8;
	[sflag:s18] =	ssyncadd.s32 $0xFFFFE000  }
0x39: {  	[hbm4b:s10+s3] =	stream.linear.scatter [tilespmem:s28], [sflag:$0xF], $0x2000, $0x38;
	[tilespmem:$0x1C800] =	vst v63  }
0x3a: {  	_ =	swait.ge [sflag:s20], $0x2000  }
0x3b: {  	[sflag:s20] =	ssyncset.done $0x0  }
0x3c: {  	s10 =	sadd.s32 $0x200, s13;
	[sflag:s20] =	ssyncadd.s32 $0xFFFFE000  }
0x3d: {  	[tilespmem:s19], [sflag:$0x3] =	stream.indirect.gather [hbm4b:s4+s14], $0x80, s10, s14, $0xb8;
	[tilespmem:$0x1C800] =	vst v63  }
0x3e: {  	_ =	swait.ge [sflag:s5], $0x2000  }
0x3f: {  	[sflag:s5] =	ssyncset.done $0x0  }
0x40: {  	[sflag:s5] =	ssyncadd.s32 $0xFFFFE000  }
0x41: {  	[hbm4b:s8+s3] =	stream.linear.scatter [tilespmem:s30], [sflag:$0x10], $0x2000, $0x38;
	[tilespmem:$0x1C800] =	vst v63  }
0x42: {  	s12 =	sadd.s32 $0xFFFFFFFF, s12;
	_ =	swait.ge [sflag:s6], $0x2000  }
0x43: {  	s9 =	sadd.s32 $0x10000, s9;
	s10 =	sadd.s32 $0x280, s13;
	[sflag:s6] =	ssyncset.done $0x0  }
0x44: {  	s13 =	sadd.s32 $0x400, s13;
	s8 =	sadd.s32 $0x2000, s8;
	[sflag:s6] =	ssyncadd.s32 $0xFFFFE000  }
0x45: {  	[tilespmem:s21], [sflag:$0x4] =	stream.indirect.gather [hbm4b:s4+s14], $0x80, s10, s14, $0xb8;
	[tilespmem:$0x1C800] =	vst v63  }
.LBB2_2:
0x46: {  	_ =	swait.ge [sflag:s22], $0x2000  }
0x47: {  	s10 =	sshrl.u32 s9, $0x3;
	[sflag:s22] =	ssyncset.done $0x0  }
0x48: {  	p0 =	seq.s32 s12, $0x31;
	s10 =	sadd.s32 s2, s10;
	[sflag:s22] =	ssyncadd.s32 $0xFFFFE000  }
0x49: {  	[hbm4b:s10+s3] =	stream.linear.scatter [tilespmem:s15], [sflag:$0x9], $0x2000, $0x38;
	[tilespmem:$0x1C800] =	vst v63  }
0x4a: {  	s10 =	simm.s32 @!p0 $0xD  }
0x4b: {  	_ =	swait.ge @!p0 [sflag:s10], $0x2000  }
0x4c: {  	[sflag:s10] =	ssyncset.done @!p0 $0x0  }
0x4d: {  	[sflag:s10] =	ssyncadd.s32 @!p0 $0xFFFFE000;
	s10 =	sadd.s32 $0xFFFFFF00, s13  }
0x4e: {  	[tilespmem:s23], [sflag:$0x5] =	stream.indirect.gather [hbm4b:s4+s14], $0x80, s10, s14, $0xb8;
	[tilespmem:$0x1C800] =	vst v63  }
0x4f: {  	_ =	swait.ge [sflag:s24], $0x2000  }
0x50: {  	[sflag:s24] =	ssyncset.done $0x0  }
0x51: {  	s10 =	sadd.s32 $0xFFFFE800, s8;
	[sflag:s24] =	ssyncadd.s32 $0xFFFFE000  }
0x52: {  	[hbm4b:s10+s3] =	stream.linear.scatter [tilespmem:s17], [sflag:$0xA], $0x2000, $0x38;
	[tilespmem:$0x1C800] =	vst v63  }
0x53: {  	s10 =	simm.s32 @!p0 $0xE  }
0x54: {  	_ =	swait.ge @!p0 [sflag:s10], $0x2000  }
0x55: {  	[sflag:s10] =	ssyncset.done @!p0 $0x0  }
0x56: {  	[sflag:s10] =	ssyncadd.s32 @!p0 $0xFFFFE000;
	s10 =	sadd.s32 $0xFFFFFF80, s13  }
0x57: {  	[tilespmem:s25], [sflag:$0x6] =	stream.indirect.gather [hbm4b:s4+s14], $0x80, s10, s14, $0xb8;
	[tilespmem:$0x1C800] =	vst v63  }
0x58: {  	_ =	swait.ge [sflag:s26], $0x2000  }
0x59: {  	[sflag:s26] =	ssyncset.done $0x0  }
0x5a: {  	s10 =	sadd.s32 $0xFFFFEC00, s8;
	[sflag:s26] =	ssyncadd.s32 $0xFFFFE000  }
0x5b: {  	[hbm4b:s10+s3] =	stream.linear.scatter [tilespmem:s19], [sflag:$0xB], $0x2000, $0x38;
	[tilespmem:$0x1C800] =	vst v63  }
0x5c: {  	s10 =	simm.s32 @!p0 $0xF  }
0x5d: {  	_ =	swait.ge @!p0 [sflag:s10], $0x2000  }
0x5e: {  	[sflag:s10] =	ssyncset.done @!p0 $0x0  }
0x5f: {  	[sflag:s10] =	ssyncadd.s32 @!p0 $0xFFFFE000;
	p0 =	sne.s32 s12, $0x31  }
0x60: {  	[tilespmem:s28], [sflag:$0x7] =	stream.indirect.gather [hbm4b:s4+s14], $0x80, s13, s14, $0xb8;
	[tilespmem:$0x1C800] =	vst v63  }
.Ltmp1:
0x61: {  	_ =	swait.ge [sflag:s29], $0x2000;
	(pc) =	sbr.rel @!p0 .LBB2_3-.Ltmp1, $4  }
0x62: {  	[sflag:s29] =	ssyncset.done $0x0  }
0x63: {  	s10 =	sadd.s32 $0xFFFFF000, s8;
	[sflag:s29] =	ssyncadd.s32 $0xFFFFE000  }
0x64: {  	[hbm4b:s10+s3] =	stream.linear.scatter [tilespmem:s21], [sflag:$0xC], $0x2000, $0x38;
	[tilespmem:$0x1C800] =	vst v63  }
0x65: {  	s10 =	sadd.s32 $0x80, s13  }
0x66: {  	p0 =	seq.s32 s12, $0x0  }
.Ltmp2:
0x67: {  	_ = 	snop;
	(pc) =	sbr.rel @!p0 .LBB2_5-.Ltmp2, $4  }
0x68: {  	_ =	swait.ge [sflag:s7], $0x2000  }
0x69: {  	[sflag:s7] =	ssyncset.done $0x0  }
0x6a: {  	[sflag:s7] =	ssyncadd.s32 $0xFFFFE000  }
0x6b: {  	[tilespmem:s30], [sflag:$0x8] =	stream.indirect.gather [hbm4b:s4+s14], $0x80, s10, s14, $0xb8;
	[tilespmem:$0x1C800] =	vst v63  }
0x6c: {  	_ =	swait.ge [sflag:s31], $0x2000  }
0x6d: {  	[sflag:s31] =	ssyncset.done $0x0  }
0x6e: {  	s8 =	rddreg [dreg:$0x4];
	[sflag:s31] =	ssyncadd.s32 $0xFFFFE000  }
0x6f: {  	[hbm4b:s8+s3] =	stream.linear.scatter [tilespmem:s23], [sflag:$0xD], $0x2000, $0x38;
	[tilespmem:$0x1C800] =	vst v63  }
0x70: {  	_ =	swait.ge [sflag:s1], $0x2000  }
0x71: {  	[sflag:s1] =	ssyncset.done $0x0  }
0x72: {  	s10 =	rddreg [dreg:$0x5];
	[sflag:s1] =	ssyncadd.s32 $0xFFFFE000  }
0x73: {  	[hbm4b:s10+s3] =	stream.linear.scatter [tilespmem:s25], [sflag:$0xE], $0x2000, $0x38;
	[tilespmem:$0x1C800] =	vst v63  }
0x74: {  	_ =	swait.ge [sflag:s18], $0x2000  }
0x75: {  	[sflag:s18] =	ssyncset.done $0x0  }
0x76: {  	s12 =	rddreg [dreg:$0x6];
	[sflag:s18] =	ssyncadd.s32 $0xFFFFE000  }
0x77: {  	[hbm4b:s12+s3] =	stream.linear.scatter [tilespmem:s28], [sflag:$0xF], $0x2000, $0x38;
	[tilespmem:$0x1C800] =	vst v63  }
0x78: {  	_ =	swait.ge [sflag:s5], $0x2000  }
0x79: {  	[sflag:s5] =	ssyncset.done $0x0  }
0x7a: {  	s13 =	rddreg [dreg:$0x7];
	[sflag:s5] =	ssyncadd.s32 $0xFFFFE000  }
0x7b: {  	[hbm4b:s13+s3] =	stream.linear.scatter [tilespmem:s30], [sflag:$0x10], $0x2000, $0x38;
	[tilespmem:$0x1C800] =	vst v63  }
0x7c: {  	_ =	swait.ge [sflag:s0], $0x2000  }
0x7d: {  	[sflag:s0] =	ssyncset.done $0x0  }
0x7e: {  	[sflag:s0] =	ssyncadd.s32 $0xFFFFE000  }
0x7f: {  	_ =	swait.ge [sflag:s16], $0x2000  }
0x80: {  	[sflag:s16] =	ssyncset.done $0x0  }
0x81: {  	[sflag:s16] =	ssyncadd.s32 $0xFFFFE000  }
0x82: {  	_ =	swait.ge [sflag:s20], $0x2000  }
0x83: {  	[sflag:s20] =	ssyncset.done $0x0  }
0x84: {  	[sflag:s20] =	ssyncadd.s32 $0xFFFFE000  }
0x85: {  	_ =	swait.ge [sflag:s6], $0x2000  }
0x86: {  	[sflag:s6] =	ssyncset.done $0x0  }
0x87: {  	s9 =	simm.s32 $0xD;
	[sflag:s6] =	ssyncadd.s32 $0xFFFFE000  }
0x88: {  	_ =	swait.ge [sflag:s9], $0x2000  }
0x89: {  	[sflag:s9] =	ssyncset.done $0x0  }
0x8a: {  	s10 =	simm.s32 $0xE;
	[sflag:s9] =	ssyncadd.s32 $0xFFFFE000  }
0x8b: {  	_ =	swait.ge [sflag:s10], $0x2000  }
0x8c: {  	[sflag:s10] =	ssyncset.done $0x0  }
0x8d: {  	s12 =	simm.s32 $0xF;
	[sflag:s10] =	ssyncadd.s32 $0xFFFFE000  }
0x8e: {  	_ =	swait.ge [sflag:s12], $0x2000  }
0x8f: {  	[sflag:s12] =	ssyncset.done $0x0  }
0x90: {  	[sflag:s12] =	ssyncadd.s32 $0xFFFFE000  }
0x91: {  	_ =	swait.ge [sflag:s7], $0x2000  }
0x92: {  	s11 =	sadd.s32 $0x1, s11;
	s13 =	rddreg [dreg:$0x8]  }
0x93: {  	p0 =	sne.s32 s11, s13  }
.Ltmp3:
0x94: {  	_ = 	snop;
	(pc) =	sbr.rel @p0 .LBB2_1-.Ltmp3, $3  }
0x95: {  	_ =	sdelay $0x1  }
0x96: {  	[sflag:s7] =	ssyncset.done $0x0  }
0x97: {  	[sflag:s7] =	ssyncadd.s32 $0xFFFFE000  }
0x98: {  	_ =	sfence.sel $0x180000  }
0x99: {  	[bflag:$0x0] =	sbarrier.arrive $0xFFFF  }
0x9a: {  	_ =	strace $0x90000047  }
0x9b: {  	s0 =	stileid.u32;
	[bflag:$0x2] =	sbarrier.arrive $0xFFFF  }
0x9c: {  	p0 =	sne.s32 s0, $0x0;
	s0 =	rddreg [dreg:$0x2]  }
0x9d: {  	s0 =	sadd.s32 @!p0 $0x100000, s0  }
0x9e: {  	[sflag:s0] =	ssyncadd.tile.s32 @!p0 $0x1;
	_ =	shalt  }
.Lfunc_end2:
_tile_overlayer_lowered:
.L_overlay_start_2:
0x9f: {  	(tag) =	ssettag $0x2  }
0xa0: {  	s0 =	rddreg [dreg:$0x0];
	s2 =	stileid.u32  }
0xa1: {  	s1 =	rddreg [dreg:$0x1];
	p0 =	sne.s32 s2, $0x0  }
0xa2: {  	s3 =	rddreg [dreg:$0x2];
	[bflag:$0x3] =	sbarrier.arrive $0xFFFF;
	s2 =	simm.s32 @!p0 $0x1C11  }
0xa3: {  	[timem:s3], [sflag:s2] =	dma.local @!p0 [hbm:s0], s1  }
0xa4: {  	s0 =	simm.s32 @!p0 $0x11  }
0xa5: {  	_ =	swait.ge @!p0 [sflag:s0], s1  }
0xa6: {  	s1 =	ssub.s32 @!p0 $0x0, s1;
	[sflag:s0] =	ssyncset.done @!p0 $0x0  }
0xa7: {  	[sflag:s0] =	ssyncadd.s32 @!p0 s1  }
0xa8: {  	[bflag:$0x3] =	sbarrier.arrive $0xFFFF  }
0xa9: {  	_ =	shalt  }

</sc_bundles>
